<compile_context>
chip_gen: v7x
topology: tpu7x:2x2x1
jax: 0.10.2.dev20260603
libtpu: 0.0.44.dev20260713+nightly
codegen_flags: <defaults>
</compile_context>

<pallas_src>
import functools
import math

import jax
import jax.numpy as jnp
from jax import lax
from jax.experimental import pallas as pl
from jax.experimental.pallas import tpu as pltpu

H, D, K = 4096, 256, 8192
BETA = 0.25
N = 4096
NHALF = N // 2
BT = 512
CK = 2048
BT3 = 512
NW = 32


def _pre_body(x_ref, wpre_ref, bpre_ref, z_ref, zm2_ref):
    z = lax.dot_general(
        x_ref[...], wpre_ref[...], (((1,), (1,)), ((), ()))) + bpre_ref[...]
    z_ref[...] = z
    zm2_ref[...] = z * (-2.0)


def _pre(x, W_pre, b_pre):
    return pl.pallas_call(
        _pre_body,
        grid=(N // BT,),
        in_specs=[
            pl.BlockSpec((BT, H), lambda i: (i, 0)),
            pl.BlockSpec((D, H), lambda i: (0, 0)),
            pl.BlockSpec((1, D), lambda i: (0, 0)),
        ],
        out_specs=[
            pl.BlockSpec((BT, D), lambda i: (i, 0)),
            pl.BlockSpec((BT, D), lambda i: (i, 0)),
        ],
        out_shape=[
            jax.ShapeDtypeStruct((N, D), jnp.float32),
            jax.ShapeDtypeStruct((N, D), jnp.float32),
        ],
        compiler_params=pltpu.CompilerParams(
            dimension_semantics=("arbitrary",)),
    )(x, W_pre, b_pre.reshape(1, D))


def _make_stage1(nt):
    def body(zm2_ref, x2_ref, e2_ref, cb_ref, prior_ref,
             idx_ref, losspart_ref, logp_ref, lacc_ref):
        i = pl.program_id(0)

        @pl.when(i == 0)
        def _init():
            pr = prior_ref[...]
            m0 = jnp.max(pr, axis=1, keepdims=True)
            sh = pr - m0
            lse = jnp.log(jnp.sum(jnp.exp(sh), axis=1, keepdims=True))
            logp_ref[...] = sh - lse
            lacc_ref[...] = jnp.zeros_like(lacc_ref)

        zm2 = zm2_ref[...]
        x2 = x2_ref[...]

        best_m = jnp.full((BT, 1), jnp.inf, jnp.float32)
        best_i = jnp.zeros((BT, 1), jnp.int32)
        col = lax.broadcasted_iota(jnp.int32, (BT, CK), 1).astype(jnp.float32)
        for c in range(K // CK):
            cb_c = cb_ref[pl.ds(c * CK, CK), :]
            xe_m2 = lax.dot_general(zm2, cb_c, (((1,), (1,)), ((), ())))
            dist = (x2 + e2_ref[:, pl.ds(c * CK, CK)]) + xe_m2
            m = jnp.min(dist, axis=1, keepdims=True)
            a = jnp.min(jnp.where(dist == m, col, float(K)),
                        axis=1, keepdims=True).astype(jnp.int32)
            upd = m < best_m
            best_i = jnp.where(upd, a + (c * CK), best_i)
            best_m = jnp.where(upd, m, best_m)

        idx_ref[0] = best_i
        lacc_ref[...] += best_m

        @pl.when(i == nt - 1)
        def _fin():
            losspart_ref[...] = jnp.sum(lacc_ref[...], axis=0, keepdims=True)

    return pl.pallas_call(
        body,
        grid=(nt,),
        in_specs=[
            pl.BlockSpec((BT, D), lambda i: (i, 0)),
            pl.BlockSpec((BT, 1), lambda i: (i, 0)),
            pl.BlockSpec((1, K), lambda i: (0, 0)),
            pl.BlockSpec((K, D), lambda i: (0, 0)),
            pl.BlockSpec((1, K), lambda i: (0, 0)),
        ],
        out_specs=[
            pl.BlockSpec((1, BT, 1), lambda i: (i, 0, 0)),
            pl.BlockSpec((1, 1), lambda i: (0, 0)),
            pl.BlockSpec((1, K), lambda i: (0, 0)),
        ],
        out_shape=[
            jax.ShapeDtypeStruct((nt, BT, 1), jnp.int32),
            jax.ShapeDtypeStruct((1, 1), jnp.float32),
            jax.ShapeDtypeStruct((1, K), jnp.float32),
        ],
        scratch_shapes=[
            pltpu.VMEM((BT, 1), jnp.float32),
        ],
        compiler_params=pltpu.CompilerParams(
            dimension_semantics=("arbitrary",)),
    )


def _stage1(zm2, x2, e2, codebook, prior_logits):
    nt = zm2.shape[0] // BT
    return _make_stage1(nt)(zm2, x2, e2, codebook,
                            prior_logits.reshape(1, K))


def _sc_gather(codebook, idx, logp):
    from jax.experimental.pallas import tpu_sc as plsc

    n = idx.shape[0]
    lpw = n // NW
    nc = 2
    mesh = plsc.VectorSubcoreMesh(core_axis_name="c", subcore_axis_name="s")

    @functools.partial(
        pl.kernel,
        mesh=mesh,
        out_type=[
            jax.ShapeDtypeStruct((n, D), jnp.float32),
            jax.ShapeDtypeStruct((n,), jnp.float32),
        ],
        scratch_types=[
            pltpu.VMEM((lpw,), jnp.int32),
            pltpu.VMEM((lpw, D), jnp.float32),
            pltpu.VMEM((lpw,), jnp.float32),
            pltpu.SemaphoreType.DMA,
            pltpu.SemaphoreType.DMA,
        ],
    )
    def gather_k(idx_hbm, table_hbm, logp_hbm, xq_out, lp_out,
                 idx_v, rows_v, lpv_v, sem, sem2):
        wid = lax.axis_index("s") * nc + lax.axis_index("c")
        base = wid * lpw
        pltpu.sync_copy(idx_hbm.at[pl.ds(base, lpw)], idx_v)
        c1 = pltpu.async_copy(table_hbm.at[idx_v], rows_v, sem)
        c2 = pltpu.async_copy(logp_hbm.at[idx_v], lpv_v, sem2)
        c1.wait()
        c2.wait()
        pltpu.sync_copy(rows_v, xq_out.at[pl.ds(base, lpw)])
        pltpu.sync_copy(lpv_v, lp_out.at[pl.ds(base, lpw)])

    return gather_k(idx, codebook, logp)


def _stage3a_body(xq_ref, wpost_ref, bpost_ref, out_ref):
    out_ref[...] = lax.dot_general(
        xq_ref[...], wpost_ref[...], (((1,), (1,)), ((), ()))) + bpost_ref[...]


def _stage3a(x_q, W_post, b_post):
    return pl.pallas_call(
        _stage3a_body,
        grid=(NHALF // BT3,),
        in_specs=[
            pl.BlockSpec((BT3, D), lambda i: (i, 0)),
            pl.BlockSpec((H, D), lambda i: (0, 0)),
            pl.BlockSpec((1, H), lambda i: (0, 0)),
        ],
        out_specs=pl.BlockSpec((BT3, H), lambda i: (i, 0)),
        out_shape=jax.ShapeDtypeStruct((N, H), jnp.float32),
        compiler_params=pltpu.CompilerParams(
            dimension_semantics=("arbitrary",)),
    )(x_q, W_post, b_post.reshape(1, H))


def _stage3b_body(eh_ref, xq_ref, wpost_ref, bpost_ref, lpa_ref, lpb_ref,
                  pa_ref, pb_ref, out_ref, rate_ref, loss_ref):
    @pl.when(pl.program_id(0) == 0)
    def _scalars():
        s = (jnp.sum(lpa_ref[...], axis=1, keepdims=True)
             + jnp.sum(lpb_ref[...], axis=1, keepdims=True))
        rate_ref[...] = (-1.0 / math.log(2.0)) * s
        loss_ref[...] = ((1.0 + BETA) / (N * D)) * (pa_ref[...] + pb_ref[...])

    out_ref[...] = lax.dot_general(
        xq_ref[...], wpost_ref[...], (((1,), (1,)), ((), ()))) + bpost_ref[...]


def _stage3b(eh, x_q_b, W_post, b_post, lp_a, lp_b, p_a, p_b):
    nh3 = NHALF // BT3
    return pl.pallas_call(
        _stage3b_body,
        grid=(nh3,),
        in_specs=[
            pl.BlockSpec((8, 128), lambda i: (0, 0)),
            pl.BlockSpec((BT3, D), lambda i: (i, 0)),
            pl.BlockSpec((H, D), lambda i: (0, 0)),
            pl.BlockSpec((1, H), lambda i: (0, 0)),
            pl.BlockSpec((1, NHALF), lambda i: (0, 0)),
            pl.BlockSpec((1, NHALF), lambda i: (0, 0)),
            pl.BlockSpec((1, 1), lambda i: (0, 0)),
            pl.BlockSpec((1, 1), lambda i: (0, 0)),
        ],
        out_specs=[
            pl.BlockSpec((BT3, H), lambda i: (i + nh3, 0)),
            pl.BlockSpec((1, 1), lambda i: (0, 0)),
            pl.BlockSpec((1, 1), lambda i: (0, 0)),
        ],
        out_shape=[
            jax.ShapeDtypeStruct((N, H), jnp.float32),
            jax.ShapeDtypeStruct((1, 1), jnp.float32),
            jax.ShapeDtypeStruct((1, 1), jnp.float32),
        ],
        input_output_aliases={0: 0},
        compiler_params=pltpu.CompilerParams(
            dimension_semantics=("arbitrary",)),
    )(eh, x_q_b, W_post, b_post.reshape(1, H), lp_a, lp_b, p_a, p_b)


def kernel(embed, W_pre, b_pre, codebook, W_post, b_post, prior_logits):
    x = embed.reshape(-1, H)
    z, zm2 = _pre(x, W_pre, b_pre)
    x2 = jnp.sum(z ** 2, axis=1, keepdims=True)
    e2 = jnp.sum(codebook ** 2, axis=1)[None, :]
    idx3a, pa, logp = _stage1(zm2[:NHALF], x2[:NHALF], e2, codebook, prior_logits)
    idx3b, pb, _ = _stage1(zm2[NHALF:], x2[NHALF:], e2, codebook, prior_logits)
    idxa = idx3a.reshape(NHALF)
    idxb = idx3b.reshape(NHALF)
    lp = logp.reshape(K)
    xqa, lpa = _sc_gather(codebook, idxa, lp)
    xqb, lpb = _sc_gather(codebook, idxb, lp)
    eh0 = _stage3a(xqa, W_post, b_post)
    eh, rate, loss = _stage3b(eh0, xqb, W_post, b_post,
                              lpa.reshape(1, NHALF), lpb.reshape(1, NHALF),
                              pa, pb)
    idx = jnp.concatenate([idxa, idxb])
    return (eh.reshape(embed.shape), idx, rate[0, 0], loss[0, 0])

# --- scband reference (transcript-rebuilt; emitter-appended) ---
"""Pipeline reference for scband-semantic-vqcompressor-26439818674911 (READ-ONLY COPY).

The authoritative reference and input builder live on the scoring server;
editing this copy changes nothing except your own understanding.
"""

import jax, jax.numpy as jnp
import numpy as np

H, D, K = 4096, 256, 8192
BETA = 0.25

def setup_inputs(seed: int = 0) -> dict:
    key = jax.random.key(seed)
    ks = jax.random.split(key, 6)
    embed = jax.random.normal(ks[0], (2, 2048, H), dtype=jnp.float32)
    W_pre = jax.random.normal(ks[1], (D, H), dtype=jnp.float32) * (1.0 / np.sqrt(H))
    b_pre = jnp.zeros((D,), dtype=jnp.float32)
    codebook = jax.random.uniform(ks[2], (K, D), minval=-1.0 / K, maxval=1.0 / K, dtype=jnp.float32)
    W_post = jax.random.normal(ks[3], (H, D), dtype=jnp.float32) * (1.0 / np.sqrt(D))
    b_post = jnp.zeros((H,), dtype=jnp.float32)
    prior_logits = jnp.zeros((K,), dtype=jnp.float32)
    return {"embed": embed, "W_pre": W_pre, "b_pre": b_pre, "codebook": codebook, "W_post": W_post, "b_post": b_post, "prior_logits": prior_logits}

def reference(embed, W_pre, b_pre, codebook, W_post, b_post, prior_logits):
    # pre projection
    z = embed @ W_pre.T + b_pre
    d = z.shape[-1]
    x_flat = z.reshape(-1, d)
    # VQ nearest-codeword via expanded squared distance
    x2 = jnp.sum(x_flat ** 2, axis=1, keepdims=True)
    e2 = jnp.sum(codebook ** 2, axis=1)[None, :]
    xe = x_flat @ codebook.T
    dist = x2 + e2 - 2.0 * xe
    idx = jnp.argmin(dist, axis=1)
    x_q = jnp.take(codebook, idx, axis=0).reshape(z.shape)
    # straight-through estimator
    x_q_st = z + jax.lax.stop_gradient(x_q - z)
    loss_codebook = jnp.mean((x_q - jax.lax.stop_gradient(z)) ** 2)
    loss_commit = jnp.mean((z - jax.lax.stop_gradient(x_q)) ** 2)
    vq_loss = loss_codebook + BETA * loss_commit
    # post projection
    embed_hat = x_q_st @ W_post.T + b_post
    # rate estimate under learned prior
    logp = jax.nn.log_softmax(prior_logits, axis=0)
    rate_bits = jnp.mean(-jnp.take(logp, idx) / jnp.log(2.0)) * idx.size
    return (embed_hat, idx, rate_bits, vq_loss)

if __name__ == "__main__":
    import jax
    _d = setup_inputs()
    print(jax.jit(kernel)(*tuple(_d.values())))

</pallas_src>

<mosaic_0001>
#map = affine_map<(d0, d1) -> (0)>
#map1 = affine_map<(d0, d1) -> (0, 0)>
module attributes {stable_mosaic.version = 14 : i64} {
  func.func @gather_k(%arg0: i32, %arg1: i32, %arg2: memref<2048xi32, #tpu.memory_space<hbm>>, %arg3: memref<8192x256xf32, #tpu.memory_space<hbm>>, %arg4: memref<8192xf32, #tpu.memory_space<hbm>>, %arg5: memref<2048x256xf32, #tpu.memory_space<hbm>>, %arg6: memref<2048xf32, #tpu.memory_space<hbm>>, %arg7: memref<64xi32, #tpu.memory_space<vmem>>, %arg8: memref<64x256xf32, #tpu.memory_space<vmem>>, %arg9: memref<64xf32, #tpu.memory_space<vmem>>, %arg10: memref<!tpu.dma_semaphore, #tpu.memory_space<semaphore_mem>>, %arg11: memref<!tpu.dma_semaphore, #tpu.memory_space<semaphore_mem>>) attributes {dimension_semantics = [#tpu.dimension_semantics<core_parallel>, #tpu.dimension_semantics<subcore_parallel>], iteration_bounds = array<i64: 2, 16>, scalar_prefetch = 0 : i64, scratch_operands = 5 : i64, tpu.core_type = #tpu.core_type<sc_vector_subcore>, window_params = [{transform_indices = #map}, {transform_indices = #map1}, {transform_indices = #map}, {transform_indices = #map1}, {transform_indices = #map}]} {
    %mul3A = arith.constant 2 : i32
    %mul3A_0 = arith.muli %arg1, %mul3A : i32
    %add3A = arith.addi %mul3A_0, %arg0 : i32
    %mul3A_1 = arith.constant 64 : i32
    %mul3A_2 = arith.muli %add3A, %mul3A_1 : i32
    "tpu.region"() ({
      %run_scoped3A = tpu.sem_alloc : memref<!tpu.dma_semaphore, #tpu.memory_space<semaphore_mem>>
      %dma_start3A_11 = tpu.memref_slice %arg2[%mul3A_2] : memref<2048xi32, #tpu.memory_space<hbm>> -> memref<64xi32, #tpu.memory_space<hbm>>
      %dma_start3A_12 = tpu.memref_slice %arg2[%mul3A_2] : memref<2048xi32, #tpu.memory_space<hbm>> -> memref<64xi32, #tpu.memory_space<hbm>>
      tpu.enqueue_dma source(%dma_start3A_12 : memref<64xi32, #tpu.memory_space<hbm>>) target(%arg7 : memref<64xi32, #tpu.memory_space<vmem>>) target_semaphore(%run_scoped3A : memref<!tpu.dma_semaphore, #tpu.memory_space<semaphore_mem>>)
      %dma_wait3A_13 = tpu.memref_slice %arg2[%mul3A_2] : memref<2048xi32, #tpu.memory_space<hbm>> -> memref<64xi32, #tpu.memory_space<hbm>>
      %dma_wait3A_14 = tpu.memref_slice %arg2[%mul3A_2] : memref<2048xi32, #tpu.memory_space<hbm>> -> memref<64xi32, #tpu.memory_space<hbm>>
      tpu.wait_dma2 semaphore(%run_scoped3A : memref<!tpu.dma_semaphore, #tpu.memory_space<semaphore_mem>>) src(%dma_wait3A_14 : memref<64xi32, #tpu.memory_space<hbm>>) dst(%arg7 : memref<64xi32, #tpu.memory_space<vmem>>)
      tpu.yield
    }) : () -> ()
    %dma_start3A = arith.constant 0 : i32
    %dma_start3A_3 = arith.constant 0 : i32
    %dma_start3A_4 = tpu.memref_slice %arg3[%dma_start3A, %dma_start3A_3] : memref<8192x256xf32, #tpu.memory_space<hbm>> -> memref<8192x256xf32, #tpu.memory_space<hbm>>
    tpu.enqueue_indirect_dma source(%dma_start3A_4 : memref<8192x256xf32, #tpu.memory_space<hbm>>) target(%arg8 : memref<64x256xf32, #tpu.memory_space<vmem>>) offsets(%arg7 : memref<64xi32, #tpu.memory_space<vmem>>) semaphore(%arg10 : memref<!tpu.dma_semaphore, #tpu.memory_space<semaphore_mem>>)
    %dma_start3A_5 = arith.constant 0 : i32
    %dma_start3A_6 = tpu.memref_slice %arg4[%dma_start3A_5] : memref<8192xf32, #tpu.memory_space<hbm>> -> memref<8192xf32, #tpu.memory_space<hbm>>
    tpu.enqueue_indirect_dma source(%dma_start3A_6 : memref<8192xf32, #tpu.memory_space<hbm>>) target(%arg9 : memref<64xf32, #tpu.memory_space<vmem>>) offsets(%arg7 : memref<64xi32, #tpu.memory_space<vmem>>) semaphore(%arg11 : memref<!tpu.dma_semaphore, #tpu.memory_space<semaphore_mem>>)
    %dma_wait3A = arith.constant 0 : i32
    %dma_wait3A_7 = arith.constant 0 : i32
    %dma_wait3A_8 = tpu.memref_slice %arg3[%dma_wait3A, %dma_wait3A_7] : memref<8192x256xf32, #tpu.memory_space<hbm>> -> memref<8192x256xf32, #tpu.memory_space<hbm>>
    tpu.wait_indirect_dma semaphore(%arg10 : memref<!tpu.dma_semaphore, #tpu.memory_space<semaphore_mem>>) src(%dma_wait3A_8 : memref<8192x256xf32, #tpu.memory_space<hbm>>) dst(%arg8 : memref<64x256xf32, #tpu.memory_space<vmem>>)
    %dma_wait3A_9 = arith.constant 0 : i32
    %dma_wait3A_10 = tpu.memref_slice %arg4[%dma_wait3A_9] : memref<8192xf32, #tpu.memory_space<hbm>> -> memref<8192xf32, #tpu.memory_space<hbm>>
    tpu.wait_indirect_dma semaphore(%arg11 : memref<!tpu.dma_semaphore, #tpu.memory_space<semaphore_mem>>) src(%dma_wait3A_10 : memref<8192xf32, #tpu.memory_space<hbm>>) dst(%arg9 : memref<64xf32, #tpu.memory_space<vmem>>)
    "tpu.region"() ({
      %run_scoped3A = tpu.sem_alloc : memref<!tpu.dma_semaphore, #tpu.memory_space<semaphore_mem>>
      %dma_start3A_11 = arith.constant 0 : i32
      %dma_start3A_12 = tpu.memref_slice %arg5[%mul3A_2, %dma_start3A_11] : memref<2048x256xf32, #tpu.memory_space<hbm>> -> memref<64x256xf32, #tpu.memory_space<hbm>>
      %dma_start3A_13 = arith.constant 0 : i32
      %dma_start3A_14 = tpu.memref_slice %arg5[%mul3A_2, %dma_start3A_13] : memref<2048x256xf32, #tpu.memory_space<hbm>> -> memref<64x256xf32, #tpu.memory_space<hbm>>
      tpu.enqueue_dma source(%arg8 : memref<64x256xf32, #tpu.memory_space<vmem>>) target(%dma_start3A_14 : memref<64x256xf32, #tpu.memory_space<hbm>>) target_semaphore(%run_scoped3A : memref<!tpu.dma_semaphore, #tpu.memory_space<semaphore_mem>>)
      %dma_wait3A_15 = arith.constant 0 : i32
      %dma_wait3A_16 = tpu.memref_slice %arg5[%mul3A_2, %dma_wait3A_15] : memref<2048x256xf32, #tpu.memory_space<hbm>> -> memref<64x256xf32, #tpu.memory_space<hbm>>
      %dma_wait3A_17 = arith.constant 0 : i32
      %dma_wait3A_18 = tpu.memref_slice %arg5[%mul3A_2, %dma_wait3A_17] : memref<2048x256xf32, #tpu.memory_space<hbm>> -> memref<64x256xf32, #tpu.memory_space<hbm>>
      tpu.wait_dma2 semaphore(%run_scoped3A : memref<!tpu.dma_semaphore, #tpu.memory_space<semaphore_mem>>) src(%arg8 : memref<64x256xf32, #tpu.memory_space<vmem>>) dst(%dma_wait3A_18 : memref<64x256xf32, #tpu.memory_space<hbm>>)
      tpu.yield
    }) : () -> ()
    "tpu.region"() ({
      %run_scoped3A = tpu.sem_alloc : memref<!tpu.dma_semaphore, #tpu.memory_space<semaphore_mem>>
      %dma_start3A_11 = tpu.memref_slice %arg6[%mul3A_2] : memref<2048xf32, #tpu.memory_space<hbm>> -> memref<64xf32, #tpu.memory_space<hbm>>
      %dma_start3A_12 = tpu.memref_slice %arg6[%mul3A_2] : memref<2048xf32, #tpu.memory_space<hbm>> -> memref<64xf32, #tpu.memory_space<hbm>>
      tpu.enqueue_dma source(%arg9 : memref<64xf32, #tpu.memory_space<vmem>>) target(%dma_start3A_12 : memref<64xf32, #tpu.memory_space<hbm>>) target_semaphore(%run_scoped3A : memref<!tpu.dma_semaphore, #tpu.memory_space<semaphore_mem>>)
      %dma_wait3A_13 = tpu.memref_slice %arg6[%mul3A_2] : memref<2048xf32, #tpu.memory_space<hbm>> -> memref<64xf32, #tpu.memory_space<hbm>>
      %dma_wait3A_14 = tpu.memref_slice %arg6[%mul3A_2] : memref<2048xf32, #tpu.memory_space<hbm>> -> memref<64xf32, #tpu.memory_space<hbm>>
      tpu.wait_dma2 semaphore(%run_scoped3A : memref<!tpu.dma_semaphore, #tpu.memory_space<semaphore_mem>>) src(%arg9 : memref<64xf32, #tpu.memory_space<vmem>>) dst(%dma_wait3A_14 : memref<64xf32, #tpu.memory_space<hbm>>)
      tpu.yield
    }) : () -> ()
    return
  }
}

#map = affine_map<(d0, d1) -> (0)>
#map1 = affine_map<(d0, d1) -> (0, 0)>
module attributes {stable_mosaic.version = 14 : i64} {
  func.func @gather_k(%arg0: i32, %arg1: i32, %arg2: memref<2048xi32, #tpu.memory_space<hbm>>, %arg3: memref<8192x256xf32, #tpu.memory_space<hbm>>, %arg4: memref<8192xf32, #tpu.memory_space<hbm>>, %arg5: memref<2048x256xf32, #tpu.memory_space<hbm>>, %arg6: memref<2048xf32, #tpu.memory_space<hbm>>, %arg7: memref<64xi32, #tpu.memory_space<vmem>>, %arg8: memref<64x256xf32, #tpu.memory_space<vmem>>, %arg9: memref<64xf32, #tpu.memory_space<vmem>>, %arg10: memref<!tpu.dma_semaphore, #tpu.memory_space<semaphore_mem>>, %arg11: memref<!tpu.dma_semaphore, #tpu.memory_space<semaphore_mem>>) attributes {dimension_semantics = [#tpu.dimension_semantics<core_parallel>, #tpu.dimension_semantics<subcore_parallel>], iteration_bounds = array<i64: 2, 16>, scalar_prefetch = 0 : i64, scratch_operands = 5 : i64, tpu.core_type = #tpu.core_type<sc_vector_subcore>, window_params = [{transform_indices = #map}, {transform_indices = #map1}, {transform_indices = #map}, {transform_indices = #map1}, {transform_indices = #map}]} {
    %mul3A = arith.constant 2 : i32
    %mul3A_0 = arith.muli %arg1, %mul3A : i32
    %add3A = arith.addi %mul3A_0, %arg0 : i32
    %mul3A_1 = arith.constant 64 : i32
    %mul3A_2 = arith.muli %add3A, %mul3A_1 : i32
    "tpu.region"() ({
      %run_scoped3A = tpu.sem_alloc : memref<!tpu.dma_semaphore, #tpu.memory_space<semaphore_mem>>
      %dma_start3A_11 = tpu.memref_slice %arg2[%mul3A_2] : memref<2048xi32, #tpu.memory_space<hbm>> -> memref<64xi32, #tpu.memory_space<hbm>>
      %dma_start3A_12 = tpu.memref_slice %arg2[%mul3A_2] : memref<2048xi32, #tpu.memory_space<hbm>> -> memref<64xi32, #tpu.memory_space<hbm>>
      tpu.enqueue_dma source(%dma_start3A_12 : memref<64xi32, #tpu.memory_space<hbm>>) target(%arg7 : memref<64xi32, #tpu.memory_space<vmem>>) target_semaphore(%run_scoped3A : memref<!tpu.dma_semaphore, #tpu.memory_space<semaphore_mem>>)
      %dma_wait3A_13 = tpu.memref_slice %arg2[%mul3A_2] : memref<2048xi32, #tpu.memory_space<hbm>> -> memref<64xi32, #tpu.memory_space<hbm>>
      %dma_wait3A_14 = tpu.memref_slice %arg2[%mul3A_2] : memref<2048xi32, #tpu.memory_space<hbm>> -> memref<64xi32, #tpu.memory_space<hbm>>
      tpu.wait_dma2 semaphore(%run_scoped3A : memref<!tpu.dma_semaphore, #tpu.memory_space<semaphore_mem>>) src(%dma_wait3A_14 : memref<64xi32, #tpu.memory_space<hbm>>) dst(%arg7 : memref<64xi32, #tpu.memory_space<vmem>>)
      tpu.yield
    }) : () -> ()
    %dma_start3A = arith.constant 0 : i32
    %dma_start3A_3 = arith.constant 0 : i32
    %dma_start3A_4 = tpu.memref_slice %arg3[%dma_start3A, %dma_start3A_3] : memref<8192x256xf32, #tpu.memory_space<hbm>> -> memref<8192x256xf32, #tpu.memory_space<hbm>>
    tpu.enqueue_indirect_dma source(%dma_start3A_4 : memref<8192x256xf32, #tpu.memory_space<hbm>>) target(%arg8 : memref<64x256xf32, #tpu.memory_space<vmem>>) offsets(%arg7 : memref<64xi32, #tpu.memory_space<vmem>>) semaphore(%arg10 : memref<!tpu.dma_semaphore, #tpu.memory_space<semaphore_mem>>)
    %dma_start3A_5 = arith.constant 0 : i32
    %dma_start3A_6 = tpu.memref_slice %arg4[%dma_start3A_5] : memref<8192xf32, #tpu.memory_space<hbm>> -> memref<8192xf32, #tpu.memory_space<hbm>>
    tpu.enqueue_indirect_dma source(%dma_start3A_6 : memref<8192xf32, #tpu.memory_space<hbm>>) target(%arg9 : memref<64xf32, #tpu.memory_space<vmem>>) offsets(%arg7 : memref<64xi32, #tpu.memory_space<vmem>>) semaphore(%arg11 : memref<!tpu.dma_semaphore, #tpu.memory_space<semaphore_mem>>)
    %dma_wait3A = arith.constant 0 : i32
    %dma_wait3A_7 = arith.constant 0 : i32
    %dma_wait3A_8 = tpu.memref_slice %arg3[%dma_wait3A, %dma_wait3A_7] : memref<8192x256xf32, #tpu.memory_space<hbm>> -> memref<8192x256xf32, #tpu.memory_space<hbm>>
    tpu.wait_indirect_dma semaphore(%arg10 : memref<!tpu.dma_semaphore, #tpu.memory_space<semaphore_mem>>) src(%dma_wait3A_8 : memref<8192x256xf32, #tpu.memory_space<hbm>>) dst(%arg8 : memref<64x256xf32, #tpu.memory_space<vmem>>)
    %dma_wait3A_9 = arith.constant 0 : i32
    %dma_wait3A_10 = tpu.memref_slice %arg4[%dma_wait3A_9] : memref<8192xf32, #tpu.memory_space<hbm>> -> memref<8192xf32, #tpu.memory_space<hbm>>
    tpu.wait_indirect_dma semaphore(%arg11 : memref<!tpu.dma_semaphore, #tpu.memory_space<semaphore_mem>>) src(%dma_wait3A_10 : memref<8192xf32, #tpu.memory_space<hbm>>) dst(%arg9 : memref<64xf32, #tpu.memory_space<vmem>>)
    "tpu.region"() ({
      %run_scoped3A = tpu.sem_alloc : memref<!tpu.dma_semaphore, #tpu.memory_space<semaphore_mem>>
      %dma_start3A_11 = arith.constant 0 : i32
      %dma_start3A_12 = tpu.memref_slice %arg5[%mul3A_2, %dma_start3A_11] : memref<2048x256xf32, #tpu.memory_space<hbm>> -> memref<64x256xf32, #tpu.memory_space<hbm>>
      %dma_start3A_13 = arith.constant 0 : i32
      %dma_start3A_14 = tpu.memref_slice %arg5[%mul3A_2, %dma_start3A_13] : memref<2048x256xf32, #tpu.memory_space<hbm>> -> memref<64x256xf32, #tpu.memory_space<hbm>>
      tpu.enqueue_dma source(%arg8 : memref<64x256xf32, #tpu.memory_space<vmem>>) target(%dma_start3A_14 : memref<64x256xf32, #tpu.memory_space<hbm>>) target_semaphore(%run_scoped3A : memref<!tpu.dma_semaphore, #tpu.memory_space<semaphore_mem>>)
      %dma_wait3A_15 = arith.constant 0 : i32
      %dma_wait3A_16 = tpu.memref_slice %arg5[%mul3A_2, %dma_wait3A_15] : memref<2048x256xf32, #tpu.memory_space<hbm>> -> memref<64x256xf32, #tpu.memory_space<hbm>>
      %dma_wait3A_17 = arith.constant 0 : i32
      %dma_wait3A_18 = tpu.memref_slice %arg5[%mul3A_2, %dma_wait3A_17] : memref<2048x256xf32, #tpu.memory_space<hbm>> -> memref<64x256xf32, #tpu.memory_space<hbm>>
      tpu.wait_dma2 semaphore(%run_scoped3A : memref<!tpu.dma_semaphore, #tpu.memory_space<semaphore_mem>>) src(%arg8 : memref<64x256xf32, #tpu.memory_space<vmem>>) dst(%dma_wait3A_18 : memref<64x256xf32, #tpu.memory_space<hbm>>)
      tpu.yield
    }) : () -> ()
    "tpu.region"() ({
      %run_scoped3A = tpu.sem_alloc : memref<!tpu.dma_semaphore, #tpu.memory_space<semaphore_mem>>
      %dma_start3A_11 = tpu.memref_slice %arg6[%mul3A_2] : memref<2048xf32, #tpu.memory_space<hbm>> -> memref<64xf32, #tpu.memory_space<hbm>>
      %dma_start3A_12 = tpu.memref_slice %arg6[%mul3A_2] : memref<2048xf32, #tpu.memory_space<hbm>> -> memref<64xf32, #tpu.memory_space<hbm>>
      tpu.enqueue_dma source(%arg9 : memref<64xf32, #tpu.memory_space<vmem>>) target(%dma_start3A_12 : memref<64xf32, #tpu.memory_space<hbm>>) target_semaphore(%run_scoped3A : memref<!tpu.dma_semaphore, #tpu.memory_space<semaphore_mem>>)
      %dma_wait3A_13 = tpu.memref_slice %arg6[%mul3A_2] : memref<2048xf32, #tpu.memory_space<hbm>> -> memref<64xf32, #tpu.memory_space<hbm>>
      %dma_wait3A_14 = tpu.memref_slice %arg6[%mul3A_2] : memref<2048xf32, #tpu.memory_space<hbm>> -> memref<64xf32, #tpu.memory_space<hbm>>
      tpu.wait_dma2 semaphore(%run_scoped3A : memref<!tpu.dma_semaphore, #tpu.memory_space<semaphore_mem>>) src(%arg9 : memref<64xf32, #tpu.memory_space<vmem>>) dst(%dma_wait3A_14 : memref<64xf32, #tpu.memory_space<hbm>>)
      tpu.yield
    }) : () -> ()
    return
  }
}

module attributes {stable_mosaic.version = 14 : i64} {
  func.func @_pre_body(%arg0: i32, %arg1: memref<512x4096xf32, #tpu.memory_space<vmem>>, %arg2: memref<256x4096xf32, #tpu.memory_space<vmem>>, %arg3: memref<1x256xf32, #tpu.memory_space<vmem>>, %arg4: memref<512x256xf32, #tpu.memory_space<vmem>>, %arg5: memref<512x256xf32, #tpu.memory_space<vmem>>) attributes {dimension_semantics = [#tpu.dimension_semantics<arbitrary>], iteration_bounds = array<i64: 8>, scalar_prefetch = 0 : i64, scratch_operands = 0 : i64, tpu.core_type = #tpu.core_type<tc>, window_params = [{transform_indices = @transform_0, window_bounds = array<i64: 512, 4096>}, {pipeline_mode = #tpu.pipeline_mode<synchronous>, transform_indices = @transform_1, window_bounds = array<i64: 256, 4096>}, {pipeline_mode = #tpu.pipeline_mode<synchronous>, transform_indices = @transform_2, window_bounds = array<i64: 1, 256>}, {transform_indices = @transform_3, window_bounds = array<i64: 512, 256>}, {transform_indices = @transform_4, window_bounds = array<i64: 512, 256>}]} {
    %get3A = arith.constant 0 : index
    %get3A_0 = arith.constant 0 : index
    %get3A_1 = vector.load %arg1[%get3A, %get3A_0] : memref<512x4096xf32, #tpu.memory_space<vmem>>, vector<512x4096xf32>
    %get3A_2 = arith.constant 0 : index
    %get3A_3 = arith.constant 0 : index
    %get3A_4 = vector.load %arg2[%get3A_2, %get3A_3] : memref<256x4096xf32, #tpu.memory_space<vmem>>, vector<256x4096xf32>
    %dot_general3A = arith.constant dense<0.000000e+00> : vector<512x256xf32>
    %dot_general3A_5 = tpu.matmul %get3A_1, %get3A_4, %dot_general3A {dimension_numbers = #tpu.dot_dimension_numbers<[1], [1], [0], [0], [0, 0, 1, 0], [], []>, transpose_lhs_hint = false} : vector<512x4096xf32>, vector<256x4096xf32>, vector<512x256xf32> -> vector<512x256xf32>
    %get3A_6 = arith.constant 0 : index
    %get3A_7 = arith.constant 0 : index
    %get3A_8 = vector.load %arg3[%get3A_6, %get3A_7] : memref<1x256xf32, #tpu.memory_space<vmem>>, vector<1x256xf32>
    %add3A = vector.broadcast %get3A_8 : vector<1x256xf32> to vector<512x256xf32>
    %add3A_9 = arith.addf %dot_general3A_5, %add3A : vector<512x256xf32>
    %swap3A = arith.constant 0 : index
    %swap3A_10 = arith.constant 0 : index
    %swap3A_11 = vector.load %arg4[%swap3A, %swap3A_10] : memref<512x256xf32, #tpu.memory_space<vmem>>, vector<512x256xf32>
    tpu.vector_store %arg4[%swap3A, %swap3A_10], %add3A_9 {strides = array<i32>} : memref<512x256xf32, #tpu.memory_space<vmem>>, vector<512x256xf32>,
    %mul3A = arith.constant -2.000000e+00 : f32
    %mul3A_12 = vector.broadcast %mul3A : f32 to vector<512x256xf32>
    %mul3A_13 = arith.mulf %add3A_9, %mul3A_12 : vector<512x256xf32>
    %swap3A_14 = arith.constant 0 : index
    %swap3A_15 = arith.constant 0 : index
    %swap3A_16 = vector.load %arg5[%swap3A_14, %swap3A_15] : memref<512x256xf32, #tpu.memory_space<vmem>>, vector<512x256xf32>
    tpu.vector_store %arg5[%swap3A_14, %swap3A_15], %mul3A_13 {strides = array<i32>} : memref<512x256xf32, #tpu.memory_space<vmem>>, vector<512x256xf32>,
    return
  }
  func.func @transform_0(%arg0: i32) -> (i32, i32) {
    %c0_i32 = arith.constant 0 : i32
    %c0_i32_0 = arith.constant 0 : i32
    return %arg0, %c0_i32 : i32, i32
  }
  func.func @transform_1(%arg0: i32) -> (i32, i32) {
    %c0_i32 = arith.constant 0 : i32
    %c0_i32_0 = arith.constant 0 : i32
    %c0_i32_1 = arith.constant 0 : i32
    return %c0_i32, %c0_i32_0 : i32, i32
  }
  func.func @transform_2(%arg0: i32) -> (i32, i32) {
    %c0_i32 = arith.constant 0 : i32
    %c0_i32_0 = arith.constant 0 : i32
    %c0_i32_1 = arith.constant 0 : i32
    return %c0_i32, %c0_i32_0 : i32, i32
  }
  func.func @transform_3(%arg0: i32) -> (i32, i32) {
    %c0_i32 = arith.constant 0 : i32
    %c0_i32_0 = arith.constant 0 : i32
    return %arg0, %c0_i32 : i32, i32
  }
  func.func @transform_4(%arg0: i32) -> (i32, i32) {
    %c0_i32 = arith.constant 0 : i32
    %c0_i32_0 = arith.constant 0 : i32
    return %arg0, %c0_i32 : i32, i32
  }
}

module attributes {stable_mosaic.version = 14 : i64} {
  func.func @body(%arg0: i32, %arg1: memref<512x256xf32, #tpu.memory_space<vmem>>, %arg2: memref<512x1xf32, #tpu.memory_space<vmem>>, %arg3: memref<1x8192xf32, #tpu.memory_space<vmem>>, %arg4: memref<8192x256xf32, #tpu.memory_space<vmem>>, %arg5: memref<1x8192xf32, #tpu.memory_space<vmem>>, %arg6: memref<1x512x1xi32, #tpu.memory_space<vmem>>, %arg7: memref<1x1xf32, #tpu.memory_space<vmem>>, %arg8: memref<1x8192xf32, #tpu.memory_space<vmem>>, %arg9: memref<512x1xf32, #tpu.memory_space<vmem>>) attributes {dimension_semantics = [#tpu.dimension_semantics<arbitrary>], iteration_bounds = array<i64: 4>, scalar_prefetch = 0 : i64, scratch_operands = 1 : i64, tpu.core_type = #tpu.core_type<tc>, window_params = [{transform_indices = @transform_0, window_bounds = array<i64: 512, 256>}, {transform_indices = @transform_1, window_bounds = array<i64: 512, 1>}, {pipeline_mode = #tpu.pipeline_mode<synchronous>, transform_indices = @transform_2, window_bounds = array<i64: 1, 8192>}, {pipeline_mode = #tpu.pipeline_mode<synchronous>, transform_indices = @transform_3, window_bounds = array<i64: 8192, 256>}, {pipeline_mode = #tpu.pipeline_mode<synchronous>, transform_indices = @transform_4, window_bounds = array<i64: 1, 8192>}, {transform_indices = @transform_5, window_bounds = array<i64: 1, 512, 1>}, {pipeline_mode = #tpu.pipeline_mode<synchronous>, transform_indices = @transform_6, window_bounds = array<i64: 1, 1>}, {pipeline_mode = #tpu.pipeline_mode<synchronous>, transform_indices = @transform_7, window_bounds = array<i64: 1, 8192>}]} {
    %eq3A = arith.constant 0 : i32
    %eq3A_0 = arith.cmpi eq, %arg0, %eq3A : i32
    %convert_element_type3A = arith.extui %eq3A_0 : i1 to i32
    %cond3A = arith.constant 0 : i32
    %cond3A_1 = arith.cmpi ne, %convert_element_type3A, %cond3A : i32
    scf.if %cond3A_1 {
      %get3A_142 = arith.constant 0 : index
      %get3A_143 = arith.constant 0 : index
      %get3A_144 = vector.load %arg5[%get3A_142, %get3A_143] : memref<1x8192xf32, #tpu.memory_space<vmem>>, vector<1x8192xf32>
      %reduce_max3A = arith.constant dense<0xFF800000> : vector<1xf32>
      %reduce_max3A_145 = vector.multi_reduction <maximumf>, %get3A_144, %reduce_max3A [1] : vector<1x8192xf32> to vector<1xf32>
      %broadcast_in_dim3A_146 = vector.shape_cast %reduce_max3A_145 : vector<1xf32> to vector<1x1xf32>
      %sub3A = vector.broadcast %broadcast_in_dim3A_146 : vector<1x1xf32> to vector<1x8192xf32>
      %sub3A_147 = arith.subf %get3A_144, %sub3A : vector<1x8192xf32>
      %exp3A = math.exp %sub3A_147 : vector<1x8192xf32>
      %reduce_sum3A = arith.constant dense<0.000000e+00> : vector<1xf32>
      %reduce_sum3A_148 = vector.multi_reduction <add>, %exp3A, %reduce_sum3A [1] : vector<1x8192xf32> to vector<1xf32>
      %broadcast_in_dim3A_149 = vector.shape_cast %reduce_sum3A_148 : vector<1xf32> to vector<1x1xf32>
      %log3A = math.log %broadcast_in_dim3A_149 : vector<1x1xf32>
      %sub3A_150 = vector.broadcast %log3A : vector<1x1xf32> to vector<1x8192xf32>
      %sub3A_151 = arith.subf %sub3A_147, %sub3A_150 : vector<1x8192xf32>
      %swap3A_152 = arith.constant 0 : index
      %swap3A_153 = arith.constant 0 : index
      %swap3A_154 = vector.load %arg8[%swap3A_152, %swap3A_153] : memref<1x8192xf32, #tpu.memory_space<vmem>>, vector<1x8192xf32>
      tpu.vector_store %arg8[%swap3A_152, %swap3A_153], %sub3A_151 {strides = array<i32>} : memref<1x8192xf32, #tpu.memory_space<vmem>>, vector<1x8192xf32>,
      %broadcast_in_dim3A_155 = arith.constant 0.000000e+00 : f32
      %broadcast_in_dim3A_156 = vector.broadcast %broadcast_in_dim3A_155 : f32 to vector<512x1xf32>
      %swap3A_157 = arith.constant 0 : index
      %swap3A_158 = arith.constant 0 : index
      %swap3A_159 = vector.load %arg9[%swap3A_157, %swap3A_158] : memref<512x1xf32, #tpu.memory_space<vmem>>, vector<512x1xf32>
      tpu.vector_store %arg9[%swap3A_157, %swap3A_158], %broadcast_in_dim3A_156 {strides = array<i32>} : memref<512x1xf32, #tpu.memory_space<vmem>>, vector<512x1xf32>,
    } else {
    }
    %get3A = arith.constant 0 : index
    %get3A_2 = arith.constant 0 : index
    %get3A_3 = vector.load %arg1[%get3A, %get3A_2] : memref<512x256xf32, #tpu.memory_space<vmem>>, vector<512x256xf32>
    %get3A_4 = arith.constant 0 : index
    %get3A_5 = arith.constant 0 : index
    %get3A_6 = vector.load %arg2[%get3A_4, %get3A_5] : memref<512x1xf32, #tpu.memory_space<vmem>>, vector<512x1xf32>
    %broadcast_in_dim3A = arith.constant 0x7F800000 : f32
    %broadcast_in_dim3A_7 = vector.broadcast %broadcast_in_dim3A : f32 to vector<512x1xf32>
    %broadcast_in_dim3A_8 = arith.constant 0 : i32
    %broadcast_in_dim3A_9 = vector.broadcast %broadcast_in_dim3A_8 : i32 to vector<512x1xi32>
    %iota3A = tpu.iota {dimensions = array<i32: 1>} : vector<512x2048xi32>
    %convert_element_type3A_10 = arith.sitofp %iota3A : vector<512x2048xi32> to vector<512x2048xf32>
    %get3A_11 = arith.constant 0 : index
    %get3A_12 = arith.constant 0 : index
    %get3A_13 = vector.load %arg4[%get3A_11, %get3A_12] : memref<8192x256xf32, #tpu.memory_space<vmem>>, vector<2048x256xf32>
    %dot_general3A = arith.constant dense<0.000000e+00> : vector<512x2048xf32>
    %dot_general3A_14 = tpu.matmul %get3A_3, %get3A_13, %dot_general3A {dimension_numbers = #tpu.dot_dimension_numbers<[1], [1], [0], [0], [0, 0, 1, 0], [], []>, transpose_lhs_hint = false} : vector<512x256xf32>, vector<2048x256xf32>, vector<512x2048xf32> -> vector<512x2048xf32>
    %get3A_15 = arith.constant 0 : index
    %get3A_16 = arith.constant 0 : index
    %get3A_17 = vector.load %arg3[%get3A_15, %get3A_16] : memref<1x8192xf32, #tpu.memory_space<vmem>>, vector<1x2048xf32>
    %add3A = vector.broadcast %get3A_6 : vector<512x1xf32> to vector<512x2048xf32>
    %add3A_18 = vector.broadcast %get3A_17 : vector<1x2048xf32> to vector<512x2048xf32>
    %add3A_19 = arith.addf %add3A, %add3A_18 : vector<512x2048xf32>
    %add3A_20 = arith.addf %add3A_19, %dot_general3A_14 : vector<512x2048xf32>
    %reduce_min3A = arith.constant dense<0x7F800000> : vector<512xf32>
    %reduce_min3A_21 = vector.multi_reduction <minimumf>, %add3A_20, %reduce_min3A [1] : vector<512x2048xf32> to vector<512xf32>
    %broadcast_in_dim3A_22 = vector.shape_cast %reduce_min3A_21 : vector<512xf32> to vector<512x1xf32>
    %eq3A_23 = vector.broadcast %broadcast_in_dim3A_22 : vector<512x1xf32> to vector<512x2048xf32>
    %eq3A_24 = arith.cmpf oeq, %add3A_20, %eq3A_23 : vector<512x2048xf32>
    %jit3A = arith.constant 8.192000e+03 : f32
    %broadcast_in_dim3A_25 = vector.broadcast %jit3A : f32 to vector<512x2048xf32>
    %select_n3A = arith.select %eq3A_24, %convert_element_type3A_10, %broadcast_in_dim3A_25 : vector<512x2048xi1>, vector<512x2048xf32>
    %reduce_min3A_26 = arith.constant dense<0x7F800000> : vector<512xf32>
    %reduce_min3A_27 = vector.multi_reduction <minimumf>, %select_n3A, %reduce_min3A_26 [1] : vector<512x2048xf32> to vector<512xf32>
    %broadcast_in_dim3A_28 = vector.shape_cast %reduce_min3A_27 : vector<512xf32> to vector<512x1xf32>
    %convert_element_type3A_29 = arith.fptosi %broadcast_in_dim3A_28 : vector<512x1xf32> to vector<512x1xi32>
    %lt3A = arith.cmpf olt, %broadcast_in_dim3A_22, %broadcast_in_dim3A_7 : vector<512x1xf32>
    %add3A_30 = arith.constant 0 : i32
    %add3A_31 = vector.broadcast %add3A_30 : i32 to vector<512x1xi32>
    %add3A_32 = arith.addi %convert_element_type3A_29, %add3A_31 : vector<512x1xi32>
    %select_n3A_33 = arith.select %lt3A, %add3A_32, %broadcast_in_dim3A_9 : vector<512x1xi1>, vector<512x1xi32>
    %select_n3A_34 = arith.select %lt3A, %broadcast_in_dim3A_22, %broadcast_in_dim3A_7 : vector<512x1xi1>, vector<512x1xf32>
    %get3A_35 = arith.constant 2048 : index
    %get3A_36 = arith.constant 0 : index
    %get3A_37 = vector.load %arg4[%get3A_35, %get3A_36] : memref<8192x256xf32, #tpu.memory_space<vmem>>, vector<2048x256xf32>
    %dot_general3A_38 = arith.constant dense<0.000000e+00> : vector<512x2048xf32>
    %dot_general3A_39 = tpu.matmul %get3A_3, %get3A_37, %dot_general3A_38 {dimension_numbers = #tpu.dot_dimension_numbers<[1], [1], [0], [0], [0, 0, 1, 0], [], []>, transpose_lhs_hint = false} : vector<512x256xf32>, vector<2048x256xf32>, vector<512x2048xf32> -> vector<512x2048xf32>
    %get3A_40 = arith.constant 0 : index
    %get3A_41 = arith.constant 2048 : index
    %get3A_42 = vector.load %arg3[%get3A_40, %get3A_41] : memref<1x8192xf32, #tpu.memory_space<vmem>>, vector<1x2048xf32>
    %add3A_43 = vector.broadcast %get3A_6 : vector<512x1xf32> to vector<512x2048xf32>
    %add3A_44 = vector.broadcast %get3A_42 : vector<1x2048xf32> to vector<512x2048xf32>
    %add3A_45 = arith.addf %add3A_43, %add3A_44 : vector<512x2048xf32>
    %add3A_46 = arith.addf %add3A_45, %dot_general3A_39 : vector<512x2048xf32>
    %reduce_min3A_47 = arith.constant dense<0x7F800000> : vector<512xf32>
    %reduce_min3A_48 = vector.multi_reduction <minimumf>, %add3A_46, %reduce_min3A_47 [1] : vector<512x2048xf32> to vector<512xf32>
    %broadcast_in_dim3A_49 = vector.shape_cast %reduce_min3A_48 : vector<512xf32> to vector<512x1xf32>
    %eq3A_50 = vector.broadcast %broadcast_in_dim3A_49 : vector<512x1xf32> to vector<512x2048xf32>
    %eq3A_51 = arith.cmpf oeq, %add3A_46, %eq3A_50 : vector<512x2048xf32>
    %jit3A_52 = arith.constant 8.192000e+03 : f32
    %broadcast_in_dim3A_53 = vector.broadcast %jit3A_52 : f32 to vector<512x2048xf32>
    %select_n3A_54 = arith.select %eq3A_51, %convert_element_type3A_10, %broadcast_in_dim3A_53 : vector<512x2048xi1>, vector<512x2048xf32>
    %reduce_min3A_55 = arith.constant dense<0x7F800000> : vector<512xf32>
    %reduce_min3A_56 = vector.multi_reduction <minimumf>, %select_n3A_54, %reduce_min3A_55 [1] : vector<512x2048xf32> to vector<512xf32>
    %broadcast_in_dim3A_57 = vector.shape_cast %reduce_min3A_56 : vector<512xf32> to vector<512x1xf32>
    %convert_element_type3A_58 = arith.fptosi %broadcast_in_dim3A_57 : vector<512x1xf32> to vector<512x1xi32>
    %lt3A_59 = arith.cmpf olt, %broadcast_in_dim3A_49, %select_n3A_34 : vector<512x1xf32>
    %add3A_60 = arith.constant 2048 : i32
    %add3A_61 = vector.broadcast %add3A_60 : i32 to vector<512x1xi32>
    %add3A_62 = arith.addi %convert_element_type3A_58, %add3A_61 : vector<512x1xi32>
    %select_n3A_63 = arith.select %lt3A_59, %add3A_62, %select_n3A_33 : vector<512x1xi1>, vector<512x1xi32>
    %select_n3A_64 = arith.select %lt3A_59, %broadcast_in_dim3A_49, %select_n3A_34 : vector<512x1xi1>, vector<512x1xf32>
    %get3A_65 = arith.constant 4096 : index
    %get3A_66 = arith.constant 0 : index
    %get3A_67 = vector.load %arg4[%get3A_65, %get3A_66] : memref<8192x256xf32, #tpu.memory_space<vmem>>, vector<2048x256xf32>
    %dot_general3A_68 = arith.constant dense<0.000000e+00> : vector<512x2048xf32>
    %dot_general3A_69 = tpu.matmul %get3A_3, %get3A_67, %dot_general3A_68 {dimension_numbers = #tpu.dot_dimension_numbers<[1], [1], [0], [0], [0, 0, 1, 0], [], []>, transpose_lhs_hint = false} : vector<512x256xf32>, vector<2048x256xf32>, vector<512x2048xf32> -> vector<512x2048xf32>
    %get3A_70 = arith.constant 0 : index
    %get3A_71 = arith.constant 4096 : index
    %get3A_72 = vector.load %arg3[%get3A_70, %get3A_71] : memref<1x8192xf32, #tpu.memory_space<vmem>>, vector<1x2048xf32>
    %add3A_73 = vector.broadcast %get3A_6 : vector<512x1xf32> to vector<512x2048xf32>
    %add3A_74 = vector.broadcast %get3A_72 : vector<1x2048xf32> to vector<512x2048xf32>
    %add3A_75 = arith.addf %add3A_73, %add3A_74 : vector<512x2048xf32>
    %add3A_76 = arith.addf %add3A_75, %dot_general3A_69 : vector<512x2048xf32>
    %reduce_min3A_77 = arith.constant dense<0x7F800000> : vector<512xf32>
    %reduce_min3A_78 = vector.multi_reduction <minimumf>, %add3A_76, %reduce_min3A_77 [1] : vector<512x2048xf32> to vector<512xf32>
    %broadcast_in_dim3A_79 = vector.shape_cast %reduce_min3A_78 : vector<512xf32> to vector<512x1xf32>
    %eq3A_80 = vector.broadcast %broadcast_in_dim3A_79 : vector<512x1xf32> to vector<512x2048xf32>
    %eq3A_81 = arith.cmpf oeq, %add3A_76, %eq3A_80 : vector<512x2048xf32>
    %jit3A_82 = arith.constant 8.192000e+03 : f32
    %broadcast_in_dim3A_83 = vector.broadcast %jit3A_82 : f32 to vector<512x2048xf32>
    %select_n3A_84 = arith.select %eq3A_81, %convert_element_type3A_10, %broadcast_in_dim3A_83 : vector<512x2048xi1>, vector<512x2048xf32>
    %reduce_min3A_85 = arith.constant dense<0x7F800000> : vector<512xf32>
    %reduce_min3A_86 = vector.multi_reduction <minimumf>, %select_n3A_84, %reduce_min3A_85 [1] : vector<512x2048xf32> to vector<512xf32>
    %broadcast_in_dim3A_87 = vector.shape_cast %reduce_min3A_86 : vector<512xf32> to vector<512x1xf32>
    %convert_element_type3A_88 = arith.fptosi %broadcast_in_dim3A_87 : vector<512x1xf32> to vector<512x1xi32>
    %lt3A_89 = arith.cmpf olt, %broadcast_in_dim3A_79, %select_n3A_64 : vector<512x1xf32>
    %add3A_90 = arith.constant 4096 : i32
    %add3A_91 = vector.broadcast %add3A_90 : i32 to vector<512x1xi32>
    %add3A_92 = arith.addi %convert_element_type3A_88, %add3A_91 : vector<512x1xi32>
    %select_n3A_93 = arith.select %lt3A_89, %add3A_92, %select_n3A_63 : vector<512x1xi1>, vector<512x1xi32>
    %select_n3A_94 = arith.select %lt3A_89, %broadcast_in_dim3A_79, %select_n3A_64 : vector<512x1xi1>, vector<512x1xf32>
    %get3A_95 = arith.constant 6144 : index
    %get3A_96 = arith.constant 0 : index
    %get3A_97 = vector.load %arg4[%get3A_95, %get3A_96] : memref<8192x256xf32, #tpu.memory_space<vmem>>, vector<2048x256xf32>
    %dot_general3A_98 = arith.constant dense<0.000000e+00> : vector<512x2048xf32>
    %dot_general3A_99 = tpu.matmul %get3A_3, %get3A_97, %dot_general3A_98 {dimension_numbers = #tpu.dot_dimension_numbers<[1], [1], [0], [0], [0, 0, 1, 0], [], []>, transpose_lhs_hint = false} : vector<512x256xf32>, vector<2048x256xf32>, vector<512x2048xf32> -> vector<512x2048xf32>
    %get3A_100 = arith.constant 0 : index
    %get3A_101 = arith.constant 6144 : index
    %get3A_102 = vector.load %arg3[%get3A_100, %get3A_101] : memref<1x8192xf32, #tpu.memory_space<vmem>>, vector<1x2048xf32>
    %add3A_103 = vector.broadcast %get3A_6 : vector<512x1xf32> to vector<512x2048xf32>
    %add3A_104 = vector.broadcast %get3A_102 : vector<1x2048xf32> to vector<512x2048xf32>
    %add3A_105 = arith.addf %add3A_103, %add3A_104 : vector<512x2048xf32>
    %add3A_106 = arith.addf %add3A_105, %dot_general3A_99 : vector<512x2048xf32>
    %reduce_min3A_107 = arith.constant dense<0x7F800000> : vector<512xf32>
    %reduce_min3A_108 = vector.multi_reduction <minimumf>, %add3A_106, %reduce_min3A_107 [1] : vector<512x2048xf32> to vector<512xf32>
    %broadcast_in_dim3A_109 = vector.shape_cast %reduce_min3A_108 : vector<512xf32> to vector<512x1xf32>
    %eq3A_110 = vector.broadcast %broadcast_in_dim3A_109 : vector<512x1xf32> to vector<512x2048xf32>
    %eq3A_111 = arith.cmpf oeq, %add3A_106, %eq3A_110 : vector<512x2048xf32>
    %jit3A_112 = arith.constant 8.192000e+03 : f32
    %broadcast_in_dim3A_113 = vector.broadcast %jit3A_112 : f32 to vector<512x2048xf32>
    %select_n3A_114 = arith.select %eq3A_111, %convert_element_type3A_10, %broadcast_in_dim3A_113 : vector<512x2048xi1>, vector<512x2048xf32>
    %reduce_min3A_115 = arith.constant dense<0x7F800000> : vector<512xf32>
    %reduce_min3A_116 = vector.multi_reduction <minimumf>, %select_n3A_114, %reduce_min3A_115 [1] : vector<512x2048xf32> to vector<512xf32>
    %broadcast_in_dim3A_117 = vector.shape_cast %reduce_min3A_116 : vector<512xf32> to vector<512x1xf32>
    %convert_element_type3A_118 = arith.fptosi %broadcast_in_dim3A_117 : vector<512x1xf32> to vector<512x1xi32>
    %lt3A_119 = arith.cmpf olt, %broadcast_in_dim3A_109, %select_n3A_94 : vector<512x1xf32>
    %add3A_120 = arith.constant 6144 : i32
    %add3A_121 = vector.broadcast %add3A_120 : i32 to vector<512x1xi32>
    %add3A_122 = arith.addi %convert_element_type3A_118, %add3A_121 : vector<512x1xi32>
    %select_n3A_123 = arith.select %lt3A_119, %add3A_122, %select_n3A_93 : vector<512x1xi1>, vector<512x1xi32>
    %select_n3A_124 = arith.select %lt3A_119, %broadcast_in_dim3A_109, %select_n3A_94 : vector<512x1xi1>, vector<512x1xf32>
    %swap3A = arith.constant 0 : index
    %swap3A_125 = arith.constant 0 : index
    %swap3A_126 = arith.constant 0 : index
    %swap3A_127 = vector.load %arg6[%swap3A, %swap3A_125, %swap3A_126] : memref<1x512x1xi32, #tpu.memory_space<vmem>>, vector<1x512x1xi32>
    %swap3A_128 = vector.shape_cast %swap3A_127 : vector<1x512x1xi32> to vector<512x1xi32>
    %swap3A_129 = vector.shape_cast %select_n3A_123 : vector<512x1xi32> to vector<1x512x1xi32>
    tpu.vector_store %arg6[%swap3A, %swap3A_125, %swap3A_126], %swap3A_129 {strides = array<i32>} : memref<1x512x1xi32, #tpu.memory_space<vmem>>, vector<1x512x1xi32>,
    %get3A_130 = arith.constant 0 : index
    %get3A_131 = arith.constant 0 : index
    %get3A_132 = vector.load %arg9[%get3A_130, %get3A_131] : memref<512x1xf32, #tpu.memory_space<vmem>>, vector<512x1xf32>
    %add3A_133 = arith.addf %get3A_132, %select_n3A_124 : vector<512x1xf32>
    %swap3A_134 = arith.constant 0 : index
    %swap3A_135 = arith.constant 0 : index
    %swap3A_136 = vector.load %arg9[%swap3A_134, %swap3A_135] : memref<512x1xf32, #tpu.memory_space<vmem>>, vector<512x1xf32>
    tpu.vector_store %arg9[%swap3A_134, %swap3A_135], %add3A_133 {strides = array<i32>} : memref<512x1xf32, #tpu.memory_space<vmem>>, vector<512x1xf32>,
    %eq3A_137 = arith.constant 3 : i32
    %eq3A_138 = arith.cmpi eq, %arg0, %eq3A_137 : i32
    %convert_element_type3A_139 = arith.extui %eq3A_138 : i1 to i32
    %cond3A_140 = arith.constant 0 : i32
    %cond3A_141 = arith.cmpi ne, %convert_element_type3A_139, %cond3A_140 : i32
    scf.if %cond3A_141 {
      %get3A_142 = arith.constant 0 : index
      %get3A_143 = arith.constant 0 : index
      %get3A_144 = vector.load %arg9[%get3A_142, %get3A_143] : memref<512x1xf32, #tpu.memory_space<vmem>>, vector<512x1xf32>
      %reduce_sum3A = arith.constant dense<0.000000e+00> : vector<1xf32>
      %reduce_sum3A_145 = vector.multi_reduction <add>, %get3A_144, %reduce_sum3A [0] : vector<512x1xf32> to vector<1xf32>
      %broadcast_in_dim3A_146 = vector.shape_cast %reduce_sum3A_145 : vector<1xf32> to vector<1x1xf32>
      %swap3A_147 = arith.constant 0 : index
      %swap3A_148 = arith.constant 0 : index
      %swap3A_149 = vector.load %arg7[%swap3A_147, %swap3A_148] : memref<1x1xf32, #tpu.memory_space<vmem>>, vector<1x1xf32>
      tpu.vector_store %arg7[%swap3A_147, %swap3A_148], %broadcast_in_dim3A_146 {strides = array<i32>} : memref<1x1xf32, #tpu.memory_space<vmem>>, vector<1x1xf32>,
    } else {
    }
    return
  }
  func.func @transform_0(%arg0: i32) -> (i32, i32) {
    %c0_i32 = arith.constant 0 : i32
    %c0_i32_0 = arith.constant 0 : i32
    return %arg0, %c0_i32 : i32, i32
  }
  func.func @transform_1(%arg0: i32) -> (i32, i32) {
    %c0_i32 = arith.constant 0 : i32
    %c0_i32_0 = arith.constant 0 : i32
    return %arg0, %c0_i32 : i32, i32
  }
  func.func @transform_2(%arg0: i32) -> (i32, i32) {
    %c0_i32 = arith.constant 0 : i32
    %c0_i32_0 = arith.constant 0 : i32
    %c0_i32_1 = arith.constant 0 : i32
    return %c0_i32, %c0_i32_0 : i32, i32
  }
  func.func @transform_3(%arg0: i32) -> (i32, i32) {
    %c0_i32 = arith.constant 0 : i32
    %c0_i32_0 = arith.constant 0 : i32
    %c0_i32_1 = arith.constant 0 : i32
    return %c0_i32, %c0_i32_0 : i32, i32
  }
  func.func @transform_4(%arg0: i32) -> (i32, i32) {
    %c0_i32 = arith.constant 0 : i32
    %c0_i32_0 = arith.constant 0 : i32
    %c0_i32_1 = arith.constant 0 : i32
    return %c0_i32, %c0_i32_0 : i32, i32
  }
  func.func @transform_5(%arg0: i32) -> (i32, i32, i32) {
    %c0_i32 = arith.constant 0 : i32
    %c0_i32_0 = arith.constant 0 : i32
    %c0_i32_1 = arith.constant 0 : i32
    return %arg0, %c0_i32, %c0_i32_0 : i32, i32, i32
  }
  func.func @transform_6(%arg0: i32) -> (i32, i32) {
    %c0_i32 = arith.constant 0 : i32
    %c0_i32_0 = arith.constant 0 : i32
    %c0_i32_1 = arith.constant 0 : i32
    return %c0_i32, %c0_i32_0 : i32, i32
  }
  func.func @transform_7(%arg0: i32) -> (i32, i32) {
    %c0_i32 = arith.constant 0 : i32
    %c0_i32_0 = arith.constant 0 : i32
    %c0_i32_1 = arith.constant 0 : i32
    return %c0_i32, %c0_i32_0 : i32, i32
  }
}

module attributes {stable_mosaic.version = 14 : i64} {
  func.func @body(%arg0: i32, %arg1: memref<512x256xf32, #tpu.memory_space<vmem>>, %arg2: memref<512x1xf32, #tpu.memory_space<vmem>>, %arg3: memref<1x8192xf32, #tpu.memory_space<vmem>>, %arg4: memref<8192x256xf32, #tpu.memory_space<vmem>>, %arg5: memref<1x8192xf32, #tpu.memory_space<vmem>>, %arg6: memref<1x512x1xi32, #tpu.memory_space<vmem>>, %arg7: memref<1x1xf32, #tpu.memory_space<vmem>>, %arg8: memref<1x8192xf32, #tpu.memory_space<vmem>>, %arg9: memref<512x1xf32, #tpu.memory_space<vmem>>) attributes {dimension_semantics = [#tpu.dimension_semantics<arbitrary>], iteration_bounds = array<i64: 4>, scalar_prefetch = 0 : i64, scratch_operands = 1 : i64, tpu.core_type = #tpu.core_type<tc>, window_params = [{transform_indices = @transform_0, window_bounds = array<i64: 512, 256>}, {transform_indices = @transform_1, window_bounds = array<i64: 512, 1>}, {pipeline_mode = #tpu.pipeline_mode<synchronous>, transform_indices = @transform_2, window_bounds = array<i64: 1, 8192>}, {pipeline_mode = #tpu.pipeline_mode<synchronous>, transform_indices = @transform_3, window_bounds = array<i64: 8192, 256>}, {pipeline_mode = #tpu.pipeline_mode<synchronous>, transform_indices = @transform_4, window_bounds = array<i64: 1, 8192>}, {transform_indices = @transform_5, window_bounds = array<i64: 1, 512, 1>}, {pipeline_mode = #tpu.pipeline_mode<synchronous>, transform_indices = @transform_6, window_bounds = array<i64: 1, 1>}, {pipeline_mode = #tpu.pipeline_mode<synchronous>, transform_indices = @transform_7, window_bounds = array<i64: 1, 8192>}]} {
    %eq3A = arith.constant 0 : i32
    %eq3A_0 = arith.cmpi eq, %arg0, %eq3A : i32
    %convert_element_type3A = arith.extui %eq3A_0 : i1 to i32
    %cond3A = arith.constant 0 : i32
    %cond3A_1 = arith.cmpi ne, %convert_element_type3A, %cond3A : i32
    scf.if %cond3A_1 {
      %get3A_142 = arith.constant 0 : index
      %get3A_143 = arith.constant 0 : index
      %get3A_144 = vector.load %arg5[%get3A_142, %get3A_143] : memref<1x8192xf32, #tpu.memory_space<vmem>>, vector<1x8192xf32>
      %reduce_max3A = arith.constant dense<0xFF800000> : vector<1xf32>
      %reduce_max3A_145 = vector.multi_reduction <maximumf>, %get3A_144, %reduce_max3A [1] : vector<1x8192xf32> to vector<1xf32>
      %broadcast_in_dim3A_146 = vector.shape_cast %reduce_max3A_145 : vector<1xf32> to vector<1x1xf32>
      %sub3A = vector.broadcast %broadcast_in_dim3A_146 : vector<1x1xf32> to vector<1x8192xf32>
      %sub3A_147 = arith.subf %get3A_144, %sub3A : vector<1x8192xf32>
      %exp3A = math.exp %sub3A_147 : vector<1x8192xf32>
      %reduce_sum3A = arith.constant dense<0.000000e+00> : vector<1xf32>
      %reduce_sum3A_148 = vector.multi_reduction <add>, %exp3A, %reduce_sum3A [1] : vector<1x8192xf32> to vector<1xf32>
      %broadcast_in_dim3A_149 = vector.shape_cast %reduce_sum3A_148 : vector<1xf32> to vector<1x1xf32>
      %log3A = math.log %broadcast_in_dim3A_149 : vector<1x1xf32>
      %sub3A_150 = vector.broadcast %log3A : vector<1x1xf32> to vector<1x8192xf32>
      %sub3A_151 = arith.subf %sub3A_147, %sub3A_150 : vector<1x8192xf32>
      %swap3A_152 = arith.constant 0 : index
      %swap3A_153 = arith.constant 0 : index
      %swap3A_154 = vector.load %arg8[%swap3A_152, %swap3A_153] : memref<1x8192xf32, #tpu.memory_space<vmem>>, vector<1x8192xf32>
      tpu.vector_store %arg8[%swap3A_152, %swap3A_153], %sub3A_151 {strides = array<i32>} : memref<1x8192xf32, #tpu.memory_space<vmem>>, vector<1x8192xf32>,
      %broadcast_in_dim3A_155 = arith.constant 0.000000e+00 : f32
      %broadcast_in_dim3A_156 = vector.broadcast %broadcast_in_dim3A_155 : f32 to vector<512x1xf32>
      %swap3A_157 = arith.constant 0 : index
      %swap3A_158 = arith.constant 0 : index
      %swap3A_159 = vector.load %arg9[%swap3A_157, %swap3A_158] : memref<512x1xf32, #tpu.memory_space<vmem>>, vector<512x1xf32>
      tpu.vector_store %arg9[%swap3A_157, %swap3A_158], %broadcast_in_dim3A_156 {strides = array<i32>} : memref<512x1xf32, #tpu.memory_space<vmem>>, vector<512x1xf32>,
    } else {
    }
    %get3A = arith.constant 0 : index
    %get3A_2 = arith.constant 0 : index
    %get3A_3 = vector.load %arg1[%get3A, %get3A_2] : memref<512x256xf32, #tpu.memory_space<vmem>>, vector<512x256xf32>
    %get3A_4 = arith.constant 0 : index
    %get3A_5 = arith.constant 0 : index
    %get3A_6 = vector.load %arg2[%get3A_4, %get3A_5] : memref<512x1xf32, #tpu.memory_space<vmem>>, vector<512x1xf32>
    %broadcast_in_dim3A = arith.constant 0x7F800000 : f32
    %broadcast_in_dim3A_7 = vector.broadcast %broadcast_in_dim3A : f32 to vector<512x1xf32>
    %broadcast_in_dim3A_8 = arith.constant 0 : i32
    %broadcast_in_dim3A_9 = vector.broadcast %broadcast_in_dim3A_8 : i32 to vector<512x1xi32>
    %iota3A = tpu.iota {dimensions = array<i32: 1>} : vector<512x2048xi32>
    %convert_element_type3A_10 = arith.sitofp %iota3A : vector<512x2048xi32> to vector<512x2048xf32>
    %get3A_11 = arith.constant 0 : index
    %get3A_12 = arith.constant 0 : index
    %get3A_13 = vector.load %arg4[%get3A_11, %get3A_12] : memref<8192x256xf32, #tpu.memory_space<vmem>>, vector<2048x256xf32>
    %dot_general3A = arith.constant dense<0.000000e+00> : vector<512x2048xf32>
    %dot_general3A_14 = tpu.matmul %get3A_3, %get3A_13, %dot_general3A {dimension_numbers = #tpu.dot_dimension_numbers<[1], [1], [0], [0], [0, 0, 1, 0], [], []>, transpose_lhs_hint = false} : vector<512x256xf32>, vector<2048x256xf32>, vector<512x2048xf32> -> vector<512x2048xf32>
    %get3A_15 = arith.constant 0 : index
    %get3A_16 = arith.constant 0 : index
    %get3A_17 = vector.load %arg3[%get3A_15, %get3A_16] : memref<1x8192xf32, #tpu.memory_space<vmem>>, vector<1x2048xf32>
    %add3A = vector.broadcast %get3A_6 : vector<512x1xf32> to vector<512x2048xf32>
    %add3A_18 = vector.broadcast %get3A_17 : vector<1x2048xf32> to vector<512x2048xf32>
    %add3A_19 = arith.addf %add3A, %add3A_18 : vector<512x2048xf32>
    %add3A_20 = arith.addf %add3A_19, %dot_general3A_14 : vector<512x2048xf32>
    %reduce_min3A = arith.constant dense<0x7F800000> : vector<512xf32>
    %reduce_min3A_21 = vector.multi_reduction <minimumf>, %add3A_20, %reduce_min3A [1] : vector<512x2048xf32> to vector<512xf32>
    %broadcast_in_dim3A_22 = vector.shape_cast %reduce_min3A_21 : vector<512xf32> to vector<512x1xf32>
    %eq3A_23 = vector.broadcast %broadcast_in_dim3A_22 : vector<512x1xf32> to vector<512x2048xf32>
    %eq3A_24 = arith.cmpf oeq, %add3A_20, %eq3A_23 : vector<512x2048xf32>
    %jit3A = arith.constant 8.192000e+03 : f32
    %broadcast_in_dim3A_25 = vector.broadcast %jit3A : f32 to vector<512x2048xf32>
    %select_n3A = arith.select %eq3A_24, %convert_element_type3A_10, %broadcast_in_dim3A_25 : vector<512x2048xi1>, vector<512x2048xf32>
    %reduce_min3A_26 = arith.constant dense<0x7F800000> : vector<512xf32>
    %reduce_min3A_27 = vector.multi_reduction <minimumf>, %select_n3A, %reduce_min3A_26 [1] : vector<512x2048xf32> to vector<512xf32>
    %broadcast_in_dim3A_28 = vector.shape_cast %reduce_min3A_27 : vector<512xf32> to vector<512x1xf32>
    %convert_element_type3A_29 = arith.fptosi %broadcast_in_dim3A_28 : vector<512x1xf32> to vector<512x1xi32>
    %lt3A = arith.cmpf olt, %broadcast_in_dim3A_22, %broadcast_in_dim3A_7 : vector<512x1xf32>
    %add3A_30 = arith.constant 0 : i32
    %add3A_31 = vector.broadcast %add3A_30 : i32 to vector<512x1xi32>
    %add3A_32 = arith.addi %convert_element_type3A_29, %add3A_31 : vector<512x1xi32>
    %select_n3A_33 = arith.select %lt3A, %add3A_32, %broadcast_in_dim3A_9 : vector<512x1xi1>, vector<512x1xi32>
    %select_n3A_34 = arith.select %lt3A, %broadcast_in_dim3A_22, %broadcast_in_dim3A_7 : vector<512x1xi1>, vector<512x1xf32>
    %get3A_35 = arith.constant 2048 : index
    %get3A_36 = arith.constant 0 : index
    %get3A_37 = vector.load %arg4[%get3A_35, %get3A_36] : memref<8192x256xf32, #tpu.memory_space<vmem>>, vector<2048x256xf32>
    %dot_general3A_38 = arith.constant dense<0.000000e+00> : vector<512x2048xf32>
    %dot_general3A_39 = tpu.matmul %get3A_3, %get3A_37, %dot_general3A_38 {dimension_numbers = #tpu.dot_dimension_numbers<[1], [1], [0], [0], [0, 0, 1, 0], [], []>, transpose_lhs_hint = false} : vector<512x256xf32>, vector<2048x256xf32>, vector<512x2048xf32> -> vector<512x2048xf32>
    %get3A_40 = arith.constant 0 : index
    %get3A_41 = arith.constant 2048 : index
    %get3A_42 = vector.load %arg3[%get3A_40, %get3A_41] : memref<1x8192xf32, #tpu.memory_space<vmem>>, vector<1x2048xf32>
    %add3A_43 = vector.broadcast %get3A_6 : vector<512x1xf32> to vector<512x2048xf32>
    %add3A_44 = vector.broadcast %get3A_42 : vector<1x2048xf32> to vector<512x2048xf32>
    %add3A_45 = arith.addf %add3A_43, %add3A_44 : vector<512x2048xf32>
    %add3A_46 = arith.addf %add3A_45, %dot_general3A_39 : vector<512x2048xf32>
    %reduce_min3A_47 = arith.constant dense<0x7F800000> : vector<512xf32>
    %reduce_min3A_48 = vector.multi_reduction <minimumf>, %add3A_46, %reduce_min3A_47 [1] : vector<512x2048xf32> to vector<512xf32>
    %broadcast_in_dim3A_49 = vector.shape_cast %reduce_min3A_48 : vector<512xf32> to vector<512x1xf32>
    %eq3A_50 = vector.broadcast %broadcast_in_dim3A_49 : vector<512x1xf32> to vector<512x2048xf32>
    %eq3A_51 = arith.cmpf oeq, %add3A_46, %eq3A_50 : vector<512x2048xf32>
    %jit3A_52 = arith.constant 8.192000e+03 : f32
    %broadcast_in_dim3A_53 = vector.broadcast %jit3A_52 : f32 to vector<512x2048xf32>
    %select_n3A_54 = arith.select %eq3A_51, %convert_element_type3A_10, %broadcast_in_dim3A_53 : vector<512x2048xi1>, vector<512x2048xf32>
    %reduce_min3A_55 = arith.constant dense<0x7F800000> : vector<512xf32>
    %reduce_min3A_56 = vector.multi_reduction <minimumf>, %select_n3A_54, %reduce_min3A_55 [1] : vector<512x2048xf32> to vector<512xf32>
    %broadcast_in_dim3A_57 = vector.shape_cast %reduce_min3A_56 : vector<512xf32> to vector<512x1xf32>
    %convert_element_type3A_58 = arith.fptosi %broadcast_in_dim3A_57 : vector<512x1xf32> to vector<512x1xi32>
    %lt3A_59 = arith.cmpf olt, %broadcast_in_dim3A_49, %select_n3A_34 : vector<512x1xf32>
    %add3A_60 = arith.constant 2048 : i32
    %add3A_61 = vector.broadcast %add3A_60 : i32 to vector<512x1xi32>
    %add3A_62 = arith.addi %convert_element_type3A_58, %add3A_61 : vector<512x1xi32>
    %select_n3A_63 = arith.select %lt3A_59, %add3A_62, %select_n3A_33 : vector<512x1xi1>, vector<512x1xi32>
    %select_n3A_64 = arith.select %lt3A_59, %broadcast_in_dim3A_49, %select_n3A_34 : vector<512x1xi1>, vector<512x1xf32>
    %get3A_65 = arith.constant 4096 : index
    %get3A_66 = arith.constant 0 : index
    %get3A_67 = vector.load %arg4[%get3A_65, %get3A_66] : memref<8192x256xf32, #tpu.memory_space<vmem>>, vector<2048x256xf32>
    %dot_general3A_68 = arith.constant dense<0.000000e+00> : vector<512x2048xf32>
    %dot_general3A_69 = tpu.matmul %get3A_3, %get3A_67, %dot_general3A_68 {dimension_numbers = #tpu.dot_dimension_numbers<[1], [1], [0], [0], [0, 0, 1, 0], [], []>, transpose_lhs_hint = false} : vector<512x256xf32>, vector<2048x256xf32>, vector<512x2048xf32> -> vector<512x2048xf32>
    %get3A_70 = arith.constant 0 : index
    %get3A_71 = arith.constant 4096 : index
    %get3A_72 = vector.load %arg3[%get3A_70, %get3A_71] : memref<1x8192xf32, #tpu.memory_space<vmem>>, vector<1x2048xf32>
    %add3A_73 = vector.broadcast %get3A_6 : vector<512x1xf32> to vector<512x2048xf32>
    %add3A_74 = vector.broadcast %get3A_72 : vector<1x2048xf32> to vector<512x2048xf32>
    %add3A_75 = arith.addf %add3A_73, %add3A_74 : vector<512x2048xf32>
    %add3A_76 = arith.addf %add3A_75, %dot_general3A_69 : vector<512x2048xf32>
    %reduce_min3A_77 = arith.constant dense<0x7F800000> : vector<512xf32>
    %reduce_min3A_78 = vector.multi_reduction <minimumf>, %add3A_76, %reduce_min3A_77 [1] : vector<512x2048xf32> to vector<512xf32>
    %broadcast_in_dim3A_79 = vector.shape_cast %reduce_min3A_78 : vector<512xf32> to vector<512x1xf32>
    %eq3A_80 = vector.broadcast %broadcast_in_dim3A_79 : vector<512x1xf32> to vector<512x2048xf32>
    %eq3A_81 = arith.cmpf oeq, %add3A_76, %eq3A_80 : vector<512x2048xf32>
    %jit3A_82 = arith.constant 8.192000e+03 : f32
    %broadcast_in_dim3A_83 = vector.broadcast %jit3A_82 : f32 to vector<512x2048xf32>
    %select_n3A_84 = arith.select %eq3A_81, %convert_element_type3A_10, %broadcast_in_dim3A_83 : vector<512x2048xi1>, vector<512x2048xf32>
    %reduce_min3A_85 = arith.constant dense<0x7F800000> : vector<512xf32>
    %reduce_min3A_86 = vector.multi_reduction <minimumf>, %select_n3A_84, %reduce_min3A_85 [1] : vector<512x2048xf32> to vector<512xf32>
    %broadcast_in_dim3A_87 = vector.shape_cast %reduce_min3A_86 : vector<512xf32> to vector<512x1xf32>
    %convert_element_type3A_88 = arith.fptosi %broadcast_in_dim3A_87 : vector<512x1xf32> to vector<512x1xi32>
    %lt3A_89 = arith.cmpf olt, %broadcast_in_dim3A_79, %select_n3A_64 : vector<512x1xf32>
    %add3A_90 = arith.constant 4096 : i32
    %add3A_91 = vector.broadcast %add3A_90 : i32 to vector<512x1xi32>
    %add3A_92 = arith.addi %convert_element_type3A_88, %add3A_91 : vector<512x1xi32>
    %select_n3A_93 = arith.select %lt3A_89, %add3A_92, %select_n3A_63 : vector<512x1xi1>, vector<512x1xi32>
    %select_n3A_94 = arith.select %lt3A_89, %broadcast_in_dim3A_79, %select_n3A_64 : vector<512x1xi1>, vector<512x1xf32>
    %get3A_95 = arith.constant 6144 : index
    %get3A_96 = arith.constant 0 : index
    %get3A_97 = vector.load %arg4[%get3A_95, %get3A_96] : memref<8192x256xf32, #tpu.memory_space<vmem>>, vector<2048x256xf32>
    %dot_general3A_98 = arith.constant dense<0.000000e+00> : vector<512x2048xf32>
    %dot_general3A_99 = tpu.matmul %get3A_3, %get3A_97, %dot_general3A_98 {dimension_numbers = #tpu.dot_dimension_numbers<[1], [1], [0], [0], [0, 0, 1, 0], [], []>, transpose_lhs_hint = false} : vector<512x256xf32>, vector<2048x256xf32>, vector<512x2048xf32> -> vector<512x2048xf32>
    %get3A_100 = arith.constant 0 : index
    %get3A_101 = arith.constant 6144 : index
    %get3A_102 = vector.load %arg3[%get3A_100, %get3A_101] : memref<1x8192xf32, #tpu.memory_space<vmem>>, vector<1x2048xf32>
    %add3A_103 = vector.broadcast %get3A_6 : vector<512x1xf32> to vector<512x2048xf32>
    %add3A_104 = vector.broadcast %get3A_102 : vector<1x2048xf32> to vector<512x2048xf32>
    %add3A_105 = arith.addf %add3A_103, %add3A_104 : vector<512x2048xf32>
    %add3A_106 = arith.addf %add3A_105, %dot_general3A_99 : vector<512x2048xf32>
    %reduce_min3A_107 = arith.constant dense<0x7F800000> : vector<512xf32>
    %reduce_min3A_108 = vector.multi_reduction <minimumf>, %add3A_106, %reduce_min3A_107 [1] : vector<512x2048xf32> to vector<512xf32>
    %broadcast_in_dim3A_109 = vector.shape_cast %reduce_min3A_108 : vector<512xf32> to vector<512x1xf32>
    %eq3A_110 = vector.broadcast %broadcast_in_dim3A_109 : vector<512x1xf32> to vector<512x2048xf32>
    %eq3A_111 = arith.cmpf oeq, %add3A_106, %eq3A_110 : vector<512x2048xf32>
    %jit3A_112 = arith.constant 8.192000e+03 : f32
    %broadcast_in_dim3A_113 = vector.broadcast %jit3A_112 : f32 to vector<512x2048xf32>
    %select_n3A_114 = arith.select %eq3A_111, %convert_element_type3A_10, %broadcast_in_dim3A_113 : vector<512x2048xi1>, vector<512x2048xf32>
    %reduce_min3A_115 = arith.constant dense<0x7F800000> : vector<512xf32>
    %reduce_min3A_116 = vector.multi_reduction <minimumf>, %select_n3A_114, %reduce_min3A_115 [1] : vector<512x2048xf32> to vector<512xf32>
    %broadcast_in_dim3A_117 = vector.shape_cast %reduce_min3A_116 : vector<512xf32> to vector<512x1xf32>
    %convert_element_type3A_118 = arith.fptosi %broadcast_in_dim3A_117 : vector<512x1xf32> to vector<512x1xi32>
    %lt3A_119 = arith.cmpf olt, %broadcast_in_dim3A_109, %select_n3A_94 : vector<512x1xf32>
    %add3A_120 = arith.constant 6144 : i32
    %add3A_121 = vector.broadcast %add3A_120 : i32 to vector<512x1xi32>
    %add3A_122 = arith.addi %convert_element_type3A_118, %add3A_121 : vector<512x1xi32>
    %select_n3A_123 = arith.select %lt3A_119, %add3A_122, %select_n3A_93 : vector<512x1xi1>, vector<512x1xi32>
    %select_n3A_124 = arith.select %lt3A_119, %broadcast_in_dim3A_109, %select_n3A_94 : vector<512x1xi1>, vector<512x1xf32>
    %swap3A = arith.constant 0 : index
    %swap3A_125 = arith.constant 0 : index
    %swap3A_126 = arith.constant 0 : index
    %swap3A_127 = vector.load %arg6[%swap3A, %swap3A_125, %swap3A_126] : memref<1x512x1xi32, #tpu.memory_space<vmem>>, vector<1x512x1xi32>
    %swap3A_128 = vector.shape_cast %swap3A_127 : vector<1x512x1xi32> to vector<512x1xi32>
    %swap3A_129 = vector.shape_cast %select_n3A_123 : vector<512x1xi32> to vector<1x512x1xi32>
    tpu.vector_store %arg6[%swap3A, %swap3A_125, %swap3A_126], %swap3A_129 {strides = array<i32>} : memref<1x512x1xi32, #tpu.memory_space<vmem>>, vector<1x512x1xi32>,
    %get3A_130 = arith.constant 0 : index
    %get3A_131 = arith.constant 0 : index
    %get3A_132 = vector.load %arg9[%get3A_130, %get3A_131] : memref<512x1xf32, #tpu.memory_space<vmem>>, vector<512x1xf32>
    %add3A_133 = arith.addf %get3A_132, %select_n3A_124 : vector<512x1xf32>
    %swap3A_134 = arith.constant 0 : index
    %swap3A_135 = arith.constant 0 : index
    %swap3A_136 = vector.load %arg9[%swap3A_134, %swap3A_135] : memref<512x1xf32, #tpu.memory_space<vmem>>, vector<512x1xf32>
    tpu.vector_store %arg9[%swap3A_134, %swap3A_135], %add3A_133 {strides = array<i32>} : memref<512x1xf32, #tpu.memory_space<vmem>>, vector<512x1xf32>,
    %eq3A_137 = arith.constant 3 : i32
    %eq3A_138 = arith.cmpi eq, %arg0, %eq3A_137 : i32
    %convert_element_type3A_139 = arith.extui %eq3A_138 : i1 to i32
    %cond3A_140 = arith.constant 0 : i32
    %cond3A_141 = arith.cmpi ne, %convert_element_type3A_139, %cond3A_140 : i32
    scf.if %cond3A_141 {
      %get3A_142 = arith.constant 0 : index
      %get3A_143 = arith.constant 0 : index
      %get3A_144 = vector.load %arg9[%get3A_142, %get3A_143] : memref<512x1xf32, #tpu.memory_space<vmem>>, vector<512x1xf32>
      %reduce_sum3A = arith.constant dense<0.000000e+00> : vector<1xf32>
      %reduce_sum3A_145 = vector.multi_reduction <add>, %get3A_144, %reduce_sum3A [0] : vector<512x1xf32> to vector<1xf32>
      %broadcast_in_dim3A_146 = vector.shape_cast %reduce_sum3A_145 : vector<1xf32> to vector<1x1xf32>
      %swap3A_147 = arith.constant 0 : index
      %swap3A_148 = arith.constant 0 : index
      %swap3A_149 = vector.load %arg7[%swap3A_147, %swap3A_148] : memref<1x1xf32, #tpu.memory_space<vmem>>, vector<1x1xf32>
      tpu.vector_store %arg7[%swap3A_147, %swap3A_148], %broadcast_in_dim3A_146 {strides = array<i32>} : memref<1x1xf32, #tpu.memory_space<vmem>>, vector<1x1xf32>,
    } else {
    }
    return
  }
  func.func @transform_0(%arg0: i32) -> (i32, i32) {
    %c0_i32 = arith.constant 0 : i32
    %c0_i32_0 = arith.constant 0 : i32
    return %arg0, %c0_i32 : i32, i32
  }
  func.func @transform_1(%arg0: i32) -> (i32, i32) {
    %c0_i32 = arith.constant 0 : i32
    %c0_i32_0 = arith.constant 0 : i32
    return %arg0, %c0_i32 : i32, i32
  }
  func.func @transform_2(%arg0: i32) -> (i32, i32) {
    %c0_i32 = arith.constant 0 : i32
    %c0_i32_0 = arith.constant 0 : i32
    %c0_i32_1 = arith.constant 0 : i32
    return %c0_i32, %c0_i32_0 : i32, i32
  }
  func.func @transform_3(%arg0: i32) -> (i32, i32) {
    %c0_i32 = arith.constant 0 : i32
    %c0_i32_0 = arith.constant 0 : i32
    %c0_i32_1 = arith.constant 0 : i32
    return %c0_i32, %c0_i32_0 : i32, i32
  }
  func.func @transform_4(%arg0: i32) -> (i32, i32) {
    %c0_i32 = arith.constant 0 : i32
    %c0_i32_0 = arith.constant 0 : i32
    %c0_i32_1 = arith.constant 0 : i32
    return %c0_i32, %c0_i32_0 : i32, i32
  }
  func.func @transform_5(%arg0: i32) -> (i32, i32, i32) {
    %c0_i32 = arith.constant 0 : i32
    %c0_i32_0 = arith.constant 0 : i32
    %c0_i32_1 = arith.constant 0 : i32
    return %arg0, %c0_i32, %c0_i32_0 : i32, i32, i32
  }
  func.func @transform_6(%arg0: i32) -> (i32, i32) {
    %c0_i32 = arith.constant 0 : i32
    %c0_i32_0 = arith.constant 0 : i32
    %c0_i32_1 = arith.constant 0 : i32
    return %c0_i32, %c0_i32_0 : i32, i32
  }
  func.func @transform_7(%arg0: i32) -> (i32, i32) {
    %c0_i32 = arith.constant 0 : i32
    %c0_i32_0 = arith.constant 0 : i32
    %c0_i32_1 = arith.constant 0 : i32
    return %c0_i32, %c0_i32_0 : i32, i32
  }
}

module attributes {stable_mosaic.version = 14 : i64} {
  func.func @_stage3a_body(%arg0: i32, %arg1: memref<512x256xf32, #tpu.memory_space<vmem>>, %arg2: memref<4096x256xf32, #tpu.memory_space<vmem>>, %arg3: memref<1x4096xf32, #tpu.memory_space<vmem>>, %arg4: memref<512x4096xf32, #tpu.memory_space<vmem>>) attributes {dimension_semantics = [#tpu.dimension_semantics<arbitrary>], iteration_bounds = array<i64: 4>, scalar_prefetch = 0 : i64, scratch_operands = 0 : i64, tpu.core_type = #tpu.core_type<tc>, window_params = [{transform_indices = @transform_0, window_bounds = array<i64: 512, 256>}, {pipeline_mode = #tpu.pipeline_mode<synchronous>, transform_indices = @transform_1, window_bounds = array<i64: 4096, 256>}, {pipeline_mode = #tpu.pipeline_mode<synchronous>, transform_indices = @transform_2, window_bounds = array<i64: 1, 4096>}, {transform_indices = @transform_3, window_bounds = array<i64: 512, 4096>}]} {
    %get3A = arith.constant 0 : index
    %get3A_0 = arith.constant 0 : index
    %get3A_1 = vector.load %arg1[%get3A, %get3A_0] : memref<512x256xf32, #tpu.memory_space<vmem>>, vector<512x256xf32>
    %get3A_2 = arith.constant 0 : index
    %get3A_3 = arith.constant 0 : index
    %get3A_4 = vector.load %arg2[%get3A_2, %get3A_3] : memref<4096x256xf32, #tpu.memory_space<vmem>>, vector<4096x256xf32>
    %dot_general3A = arith.constant dense<0.000000e+00> : vector<512x4096xf32>
    %dot_general3A_5 = tpu.matmul %get3A_1, %get3A_4, %dot_general3A {dimension_numbers = #tpu.dot_dimension_numbers<[1], [1], [0], [0], [0, 0, 1, 0], [], []>, transpose_lhs_hint = false} : vector<512x256xf32>, vector<4096x256xf32>, vector<512x4096xf32> -> vector<512x4096xf32>
    %get3A_6 = arith.constant 0 : index
    %get3A_7 = arith.constant 0 : index
    %get3A_8 = vector.load %arg3[%get3A_6, %get3A_7] : memref<1x4096xf32, #tpu.memory_space<vmem>>, vector<1x4096xf32>
    %add3A = vector.broadcast %get3A_8 : vector<1x4096xf32> to vector<512x4096xf32>
    %add3A_9 = arith.addf %dot_general3A_5, %add3A : vector<512x4096xf32>
    %swap3A = arith.constant 0 : index
    %swap3A_10 = arith.constant 0 : index
    %swap3A_11 = vector.load %arg4[%swap3A, %swap3A_10] : memref<512x4096xf32, #tpu.memory_space<vmem>>, vector<512x4096xf32>
    tpu.vector_store %arg4[%swap3A, %swap3A_10], %add3A_9 {strides = array<i32>} : memref<512x4096xf32, #tpu.memory_space<vmem>>, vector<512x4096xf32>,
    return
  }
  func.func @transform_0(%arg0: i32) -> (i32, i32) {
    %c0_i32 = arith.constant 0 : i32
    %c0_i32_0 = arith.constant 0 : i32
    return %arg0, %c0_i32 : i32, i32
  }
  func.func @transform_1(%arg0: i32) -> (i32, i32) {
    %c0_i32 = arith.constant 0 : i32
    %c0_i32_0 = arith.constant 0 : i32
    %c0_i32_1 = arith.constant 0 : i32
    return %c0_i32, %c0_i32_0 : i32, i32
  }
  func.func @transform_2(%arg0: i32) -> (i32, i32) {
    %c0_i32 = arith.constant 0 : i32
    %c0_i32_0 = arith.constant 0 : i32
    %c0_i32_1 = arith.constant 0 : i32
    return %c0_i32, %c0_i32_0 : i32, i32
  }
  func.func @transform_3(%arg0: i32) -> (i32, i32) {
    %c0_i32 = arith.constant 0 : i32
    %c0_i32_0 = arith.constant 0 : i32
    return %arg0, %c0_i32 : i32, i32
  }
}

module attributes {stable_mosaic.version = 14 : i64} {
  func.func @_stage3b_body(%arg0: i32, %arg1: memref<8x128xf32, #tpu.memory_space<vmem>>, %arg2: memref<512x256xf32, #tpu.memory_space<vmem>>, %arg3: memref<4096x256xf32, #tpu.memory_space<vmem>>, %arg4: memref<1x4096xf32, #tpu.memory_space<vmem>>, %arg5: memref<1x2048xf32, #tpu.memory_space<vmem>>, %arg6: memref<1x2048xf32, #tpu.memory_space<vmem>>, %arg7: memref<1x1xf32, #tpu.memory_space<vmem>>, %arg8: memref<1x1xf32, #tpu.memory_space<vmem>>, %arg9: memref<512x4096xf32, #tpu.memory_space<vmem>>, %arg10: memref<1x1xf32, #tpu.memory_space<vmem>>, %arg11: memref<1x1xf32, #tpu.memory_space<vmem>>) attributes {dimension_semantics = [#tpu.dimension_semantics<arbitrary>], iteration_bounds = array<i64: 4>, scalar_prefetch = 0 : i64, scratch_operands = 0 : i64, tpu.core_type = #tpu.core_type<tc>, window_params = [{transform_indices = @transform_0, window_bounds = array<i64: 8, 128>}, {transform_indices = @transform_1, window_bounds = array<i64: 512, 256>}, {pipeline_mode = #tpu.pipeline_mode<synchronous>, transform_indices = @transform_2, window_bounds = array<i64: 4096, 256>}, {pipeline_mode = #tpu.pipeline_mode<synchronous>, transform_indices = @transform_3, window_bounds = array<i64: 1, 4096>}, {pipeline_mode = #tpu.pipeline_mode<synchronous>, transform_indices = @transform_4, window_bounds = array<i64: 1, 2048>}, {pipeline_mode = #tpu.pipeline_mode<synchronous>, transform_indices = @transform_5, window_bounds = array<i64: 1, 2048>}, {pipeline_mode = #tpu.pipeline_mode<synchronous>, transform_indices = @transform_6, window_bounds = array<i64: 1, 1>}, {pipeline_mode = #tpu.pipeline_mode<synchronous>, transform_indices = @transform_7, window_bounds = array<i64: 1, 1>}, {transform_indices = @transform_8, window_bounds = array<i64: 512, 4096>}, {pipeline_mode = #tpu.pipeline_mode<synchronous>, transform_indices = @transform_9, window_bounds = array<i64: 1, 1>}, {pipeline_mode = #tpu.pipeline_mode<synchronous>, transform_indices = @transform_10, window_bounds = array<i64: 1, 1>}]} {
    %eq3A = arith.constant 0 : i32
    %eq3A_0 = arith.cmpi eq, %arg0, %eq3A : i32
    %convert_element_type3A = arith.extui %eq3A_0 : i1 to i32
    %cond3A = arith.constant 0 : i32
    %cond3A_1 = arith.cmpi ne, %convert_element_type3A, %cond3A : i32
    scf.if %cond3A_1 {
      %get3A_14 = arith.constant 0 : index
      %get3A_15 = arith.constant 0 : index
      %get3A_16 = vector.load %arg5[%get3A_14, %get3A_15] : memref<1x2048xf32, #tpu.memory_space<vmem>>, vector<1x2048xf32>
      %reduce_sum3A = arith.constant dense<0.000000e+00> : vector<1xf32>
      %reduce_sum3A_17 = vector.multi_reduction <add>, %get3A_16, %reduce_sum3A [1] : vector<1x2048xf32> to vector<1xf32>
      %broadcast_in_dim3A = vector.shape_cast %reduce_sum3A_17 : vector<1xf32> to vector<1x1xf32>
      %get3A_18 = arith.constant 0 : index
      %get3A_19 = arith.constant 0 : index
      %get3A_20 = vector.load %arg6[%get3A_18, %get3A_19] : memref<1x2048xf32, #tpu.memory_space<vmem>>, vector<1x2048xf32>
      %reduce_sum3A_21 = arith.constant dense<0.000000e+00> : vector<1xf32>
      %reduce_sum3A_22 = vector.multi_reduction <add>, %get3A_20, %reduce_sum3A_21 [1] : vector<1x2048xf32> to vector<1xf32>
      %broadcast_in_dim3A_23 = vector.shape_cast %reduce_sum3A_22 : vector<1xf32> to vector<1x1xf32>
      %add3A_24 = arith.addf %broadcast_in_dim3A, %broadcast_in_dim3A_23 : vector<1x1xf32>
      %mul3A = arith.constant -1.44269502 : f32
      %mul3A_25 = vector.broadcast %mul3A : f32 to vector<1x1xf32>
      %mul3A_26 = arith.mulf %mul3A_25, %add3A_24 : vector<1x1xf32>
      %swap3A_27 = arith.constant 0 : index
      %swap3A_28 = arith.constant 0 : index
      %swap3A_29 = vector.load %arg10[%swap3A_27, %swap3A_28] : memref<1x1xf32, #tpu.memory_space<vmem>>, vector<1x1xf32>
      tpu.vector_store %arg10[%swap3A_27, %swap3A_28], %mul3A_26 {strides = array<i32>} : memref<1x1xf32, #tpu.memory_space<vmem>>, vector<1x1xf32>,
      %get3A_30 = arith.constant 0 : index
      %get3A_31 = arith.constant 0 : index
      %get3A_32 = vector.load %arg7[%get3A_30, %get3A_31] : memref<1x1xf32, #tpu.memory_space<vmem>>, vector<1x1xf32>
      %get3A_33 = arith.constant 0 : index
      %get3A_34 = arith.constant 0 : index
      %get3A_35 = vector.load %arg8[%get3A_33, %get3A_34] : memref<1x1xf32, #tpu.memory_space<vmem>>, vector<1x1xf32>
      %add3A_36 = arith.addf %get3A_32, %get3A_35 : vector<1x1xf32>
      %mul3A_37 = arith.constant 1.1920929E-6 : f32
      %mul3A_38 = vector.broadcast %mul3A_37 : f32 to vector<1x1xf32>
      %mul3A_39 = arith.mulf %mul3A_38, %add3A_36 : vector<1x1xf32>
      %swap3A_40 = arith.constant 0 : index
      %swap3A_41 = arith.constant 0 : index
      %swap3A_42 = vector.load %arg11[%swap3A_40, %swap3A_41] : memref<1x1xf32, #tpu.memory_space<vmem>>, vector<1x1xf32>
      tpu.vector_store %arg11[%swap3A_40, %swap3A_41], %mul3A_39 {strides = array<i32>} : memref<1x1xf32, #tpu.memory_space<vmem>>, vector<1x1xf32>,
    } else {
    }
    %get3A = arith.constant 0 : index
    %get3A_2 = arith.constant 0 : index
    %get3A_3 = vector.load %arg2[%get3A, %get3A_2] : memref<512x256xf32, #tpu.memory_space<vmem>>, vector<512x256xf32>
    %get3A_4 = arith.constant 0 : index
    %get3A_5 = arith.constant 0 : index
    %get3A_6 = vector.load %arg3[%get3A_4, %get3A_5] : memref<4096x256xf32, #tpu.memory_space<vmem>>, vector<4096x256xf32>
    %dot_general3A = arith.constant dense<0.000000e+00> : vector<512x4096xf32>
    %dot_general3A_7 = tpu.matmul %get3A_3, %get3A_6, %dot_general3A {dimension_numbers = #tpu.dot_dimension_numbers<[1], [1], [0], [0], [0, 0, 1, 0], [], []>, transpose_lhs_hint = false} : vector<512x256xf32>, vector<4096x256xf32>, vector<512x4096xf32> -> vector<512x4096xf32>
    %get3A_8 = arith.constant 0 : index
    %get3A_9 = arith.constant 0 : index
    %get3A_10 = vector.load %arg4[%get3A_8, %get3A_9] : memref<1x4096xf32, #tpu.memory_space<vmem>>, vector<1x4096xf32>
    %add3A = vector.broadcast %get3A_10 : vector<1x4096xf32> to vector<512x4096xf32>
    %add3A_11 = arith.addf %dot_general3A_7, %add3A : vector<512x4096xf32>
    %swap3A = arith.constant 0 : index
    %swap3A_12 = arith.constant 0 : index
    %swap3A_13 = vector.load %arg9[%swap3A, %swap3A_12] : memref<512x4096xf32, #tpu.memory_space<vmem>>, vector<512x4096xf32>
    tpu.vector_store %arg9[%swap3A, %swap3A_12], %add3A_11 {strides = array<i32>} : memref<512x4096xf32, #tpu.memory_space<vmem>>, vector<512x4096xf32>,
    return
  }
  func.func @transform_0(%arg0: i32) -> (i32, i32) {
    %c0_i32 = arith.constant 0 : i32
    %c0_i32_0 = arith.constant 0 : i32
    %c0_i32_1 = arith.constant 0 : i32
    return %c0_i32, %c0_i32_0 : i32, i32
  }
  func.func @transform_1(%arg0: i32) -> (i32, i32) {
    %c0_i32 = arith.constant 0 : i32
    %c0_i32_0 = arith.constant 0 : i32
    return %arg0, %c0_i32 : i32, i32
  }
  func.func @transform_2(%arg0: i32) -> (i32, i32) {
    %c0_i32 = arith.constant 0 : i32
    %c0_i32_0 = arith.constant 0 : i32
    %c0_i32_1 = arith.constant 0 : i32
    return %c0_i32, %c0_i32_0 : i32, i32
  }
  func.func @transform_3(%arg0: i32) -> (i32, i32) {
    %c0_i32 = arith.constant 0 : i32
    %c0_i32_0 = arith.constant 0 : i32
    %c0_i32_1 = arith.constant 0 : i32
    return %c0_i32, %c0_i32_0 : i32, i32
  }
  func.func @transform_4(%arg0: i32) -> (i32, i32) {
    %c0_i32 = arith.constant 0 : i32
    %c0_i32_0 = arith.constant 0 : i32
    %c0_i32_1 = arith.constant 0 : i32
    return %c0_i32, %c0_i32_0 : i32, i32
  }
  func.func @transform_5(%arg0: i32) -> (i32, i32) {
    %c0_i32 = arith.constant 0 : i32
    %c0_i32_0 = arith.constant 0 : i32
    %c0_i32_1 = arith.constant 0 : i32
    return %c0_i32, %c0_i32_0 : i32, i32
  }
  func.func @transform_6(%arg0: i32) -> (i32, i32) {
    %c0_i32 = arith.constant 0 : i32
    %c0_i32_0 = arith.constant 0 : i32
    %c0_i32_1 = arith.constant 0 : i32
    return %c0_i32, %c0_i32_0 : i32, i32
  }
  func.func @transform_7(%arg0: i32) -> (i32, i32) {
    %c0_i32 = arith.constant 0 : i32
    %c0_i32_0 = arith.constant 0 : i32
    %c0_i32_1 = arith.constant 0 : i32
    return %c0_i32, %c0_i32_0 : i32, i32
  }
  func.func @transform_8(%arg0: i32) -> (i32, i32) {
    %add3A = arith.constant 4 : i32
    %add3A_0 = arith.addi %arg0, %add3A : i32
    %c0_i32 = arith.constant 0 : i32
    %c0_i32_1 = arith.constant 0 : i32
    return %add3A_0, %c0_i32 : i32, i32
  }
  func.func @transform_9(%arg0: i32) -> (i32, i32) {
    %c0_i32 = arith.constant 0 : i32
    %c0_i32_0 = arith.constant 0 : i32
    %c0_i32_1 = arith.constant 0 : i32
    return %c0_i32, %c0_i32_0 : i32, i32
  }
  func.func @transform_10(%arg0: i32) -> (i32, i32) {
    %c0_i32 = arith.constant 0 : i32
    %c0_i32_0 = arith.constant 0 : i32
    %c0_i32_1 = arith.constant 0 : i32
    return %c0_i32, %c0_i32_0 : i32, i32
  }
}

</mosaic_0001>

<sc_bundles>
// kernel: kernel.12.cloned.1.call-start
scs
__scs_entry_jumppad:
0x0: {  	(pc) =	sbr.rel $0x88, $3  }
0x1: {  	(tag) =	ssettag $0x0;
	lr =	simm.s32 $0x1  }
0x2: {  	[smem:$0x3F9A] =	sst lr;
	_ =	strace $0xD0000000  }
0x3: {  	_ = 	snop  }
0x4: {  	_ = 	snop  }
0x5: {  	_ = 	snop  }
0x6: {  	_ = 	snop  }
0x7: {  	_ = 	snop  }
__scs_overlays_trampoline_lowered:
0x8: {  	[smem:$0x3FA9] =	sst s0  }
0x9: {  	[smem:$0x3FAA] =	sst s1  }
0xa: {  	[smem:$0x3FAB] =	sst s2  }
0xb: {  	[smem:$0x3FAC] =	sst s3  }
0xc: {  	[smem:$0x3FAD] =	sst s4  }
0xd: {  	[smem:$0x3FAE] =	sst s5  }
0xe: {  	[smem:$0x3FAF] =	sst s6  }
0xf: {  	[smem:$0x3FB0] =	sst s7  }
0x10: {  	[smem:$0x3FB1] =	sst s8  }
0x11: {  	[smem:$0x3FB2] =	sst s9;
	s0 =	simm.s32 @!p0 $0x0  }
0x12: {  	s1 =	sld [smem:$0x3F98];
	s0 =	simm.s32 @p0 $0x1  }
0x13: {  	[smem:$0x3FB3] =	sst s0;
	s0 =	simm.s32 @!p1 $0x0  }
0x14: {  	s2 =	sld [smem:$0x3F97];
	s0 =	simm.s32 @p1 $0x1  }
0x15: {  	[smem:$0x3FB4] =	sst s0;
	s0 =	simm.s32 @!p2 $0x0  }
0x16: {  	s3 =	sld [smem:$0x3FDB];
	s0 =	simm.s32 @p2 $0x1  }
0x17: {  	s4 =	simm.s32 $0x1BF5;
	[smem:$0x3FB6] =	sst s0  }
0x18: {  	s0 =	sld [smem:$0x3F99];
	_ =	swait.ge [sflag:s4], $0x0  }
0x19: {  	s7 =	sld [smem:$0x3F9A]  }
0x1a: {  	s8 =	sadd.s32 $0xFFFFE003, lr  }
0x1b: {  	s9 =	sadd.s32 $0xFFFFFEF7, lr;
	s5 =	simm.s32 $0xFFFFFFFF;
	p2 =	slt.u32 s8, $0xFFFFF086  }
0x1c: {  	p1 =	slt.u32 s9, $0xF7A;
	s5 =	simm.s32 @!p2 $0x0  }
0x1d: {  	s5 =	simm.s32 @p1 $0x1;
	p0 =	seq.s32 s7, s2  }
0x1e: {  	s7 =	smul.u32 @!p0 $0xF7A, s2;
	p2 =	seq.s32 @!p0 s5, $0x0  }
0x1f: {  	s9 =	smul.u32 $0xF7A, s1;
	s8 =	simm.s32 @!p0 $0x1BF5;
	p2 =	por !p2, p0  }
0x20: {  	[sflag:s8] =	ssyncset.s32 @!p0 $0xFFFFF086;
	s6 =	sadd.s32 @!p0 s3, s7;
	s7 =	simm.s32 @!p0 $0x108  }
0x21: {  	s3 =	sadd.s32 s3, s9;
	s6 =	sadd.s32 @!p0 $0x88, s6;
	s7 =	simm.s32 @p2 $0x1082  }
0x22: {  	[simem:s7], [sflag:s8] =	dma.local @!p0 [hbm:s6], $0xF7A  }
0x23: {  	s9 =	sor.u32 $0xD0000000, s2;
	s6 =	simm.s32 $0x108;
	_ =	swait.ge @!p0 [sflag:s8], $0x0  }
0x24: {  	s3 =	sadd.s32 $0x88, s3;
	s6 =	simm.s32 @!p1 $0x1082;
	[sflag:s4] =	ssyncset.s32 $0xFFFFF086  }
0x25: {  	[simem:s6], [sflag:s4] =	dma.local [hbm:s3], $0xF7A  }
0x26: {  	[smem:$0x3F9A] =	sst s1;
	(tag) =	ssettag s2;
	_ =	strace s9  }
0x27: {  	s1 =	sld [smem:$0x3FAA]  }
0x28: {  	s2 =	sld [smem:$0x3FAB]  }
0x29: {  	s4 =	sld [smem:$0x3FAD]  }
0x2a: {  	p0 =	seq.s32 s5, $0x0;
	s5 =	sld [smem:$0x3FAE]  }
0x2b: {  	s6 =	sld [smem:$0x3FAF]  }
0x2c: {  	s7 =	sld [smem:$0x3FB0]  }
0x2d: {  	s3 =	simm.s32 $0x108;
	s8 =	sld [smem:$0x3FB1]  }
0x2e: {  	s3 =	simm.s32 @!p0 $0x1082;
	s9 =	sld [smem:$0x3FB2]  }
0x2f: {  	lr =	sadd.s32 s0, s3;
	s0 =	sld [smem:$0x3FA9]  }
0x30: {  	s3 =	sld [smem:$0x3FAC]  }
0x31: {  	[smem:$0x3FB5] =	sst s10  }
0x32: {  	s10 =	sld [smem:$0x3FB3];
	_ =	sdelay $0x3  }
0x33: {  	p0 =	seq.s32 s10, $0x1;
	s10 =	sld [smem:$0x3FB5];
	_ =	sdelay $0x3  }
0x34: {  	[smem:$0x3FB5] =	sst s10  }
0x35: {  	s10 =	sld [smem:$0x3FB4];
	_ =	sdelay $0x3  }
0x36: {  	p1 =	seq.s32 s10, $0x1;
	s10 =	sld [smem:$0x3FB5];
	_ =	sdelay $0x3  }
0x37: {  	[smem:$0x3FB5] =	sst s10  }
0x38: {  	s10 =	sld [smem:$0x3FB6]  }
0x39: {  	_ = 	snop;
	(pc) =	sbr.ind lr, $3  }
0x3a: {  	_ = 	snop  }
0x3b: {  	_ = 	snop  }
0x3c: {  	p2 =	seq.s32 s10, $0x1;
	s10 =	sld [smem:$0x3FB5]  }
0x3d: {  	_ =	shalt  }
0x3e: {  	_ =	shalt  }
0x3f: {  	_ =	shalt  }
0x40: {  	_ =	shalt  }
0x41: {  	_ =	shalt  }
0x42: {  	_ =	shalt  }
0x43: {  	_ =	shalt  }
0x44: {  	_ =	shalt  }
0x45: {  	_ =	shalt  }
0x46: {  	_ =	shalt  }
0x47: {  	_ =	shalt  }
0x48: {  	_ =	shalt  }
0x49: {  	_ =	shalt  }
0x4a: {  	_ =	shalt  }
0x4b: {  	_ =	shalt  }
0x4c: {  	_ =	shalt  }
0x4d: {  	_ =	shalt  }
0x4e: {  	_ =	shalt  }
0x4f: {  	_ =	shalt  }
0x50: {  	_ =	shalt  }
0x51: {  	_ =	shalt  }
0x52: {  	_ =	shalt  }
0x53: {  	_ =	shalt  }
0x54: {  	_ =	shalt  }
0x55: {  	_ =	shalt  }
0x56: {  	_ =	shalt  }
0x57: {  	_ =	shalt  }
0x58: {  	_ =	shalt  }
0x59: {  	_ =	shalt  }
0x5a: {  	_ =	shalt  }
0x5b: {  	_ =	shalt  }
0x5c: {  	_ =	shalt  }
0x5d: {  	_ =	shalt  }
0x5e: {  	_ =	shalt  }
0x5f: {  	_ =	shalt  }
0x60: {  	_ =	shalt  }
0x61: {  	_ =	shalt  }
0x62: {  	_ =	shalt  }
0x63: {  	_ =	shalt  }
0x64: {  	_ =	shalt  }
0x65: {  	_ =	shalt  }
0x66: {  	_ =	shalt  }
0x67: {  	_ =	shalt  }
0x68: {  	_ =	shalt  }
0x69: {  	_ =	shalt  }
0x6a: {  	_ =	shalt  }
0x6b: {  	_ =	shalt  }
0x6c: {  	_ =	shalt  }
0x6d: {  	_ =	shalt  }
0x6e: {  	_ =	shalt  }
0x6f: {  	_ =	shalt  }
0x70: {  	_ =	shalt  }
0x71: {  	_ =	shalt  }
0x72: {  	_ =	shalt  }
0x73: {  	_ =	shalt  }
0x74: {  	_ =	shalt  }
0x75: {  	_ =	shalt  }
0x76: {  	_ =	shalt  }
0x77: {  	_ =	shalt  }
0x78: {  	_ =	shalt  }
0x79: {  	_ =	shalt  }
0x7a: {  	_ =	shalt  }
0x7b: {  	_ =	shalt  }
0x7c: {  	_ =	shalt  }
0x7d: {  	_ =	shalt  }
0x7e: {  	_ =	shalt  }
0x7f: {  	_ =	shalt  }
0x80: {  	_ =	shalt  }
0x81: {  	_ =	shalt  }
0x82: {  	_ =	shalt  }
0x83: {  	_ =	shalt  }
0x84: {  	_ =	shalt  }
0x85: {  	_ =	shalt  }
0x86: {  	_ =	shalt  }
0x87: {  	_ =	shalt  }
.Lfunc_end0:
.L_simem_size_0:
called_computation.1_lowered:
.L_overlay_start_0:
0x88: {  	s2 =	sld [smem:$0x3FD9]  }
0x89: {  	s3 =	sld [smem:$0x3FFE];
	_ =	sdelay $0x1  }
0x8a: {  	s1 =	srdreg.scid  }
0x8b: {  	s0 =	sand.u32 $0x1, s1  }
0x8c: {  	s17 =	sshll.u32 s0, $0xA;
	s2 =	sadd.s32 s3, s2  }
0x8d: {  	s2 =	sadd.s32 s2, s17  }
0x8e: {  	[smem:$0x3FC1] =	sst s2  }
0x8f: {  	_ = 	snop  }
0x90: {  	s18 =	sld [smem:$0x3FC6];
	(tm) =	ssettm $0x1  }
0x91: {  	s19 =	sld [smem:$0x3FFB];
	_ =	sdelay $0x3  }
0x92: {  	_ =	strace s19  }
0x93: {  	s2 =	sld [smem:$0x3FFC];
	_ =	sdelay $0x3  }
0x94: {  	_ =	strace s2  }
0x95: {  	s2 =	sld [smem:$0x3FFD];
	_ =	sdelay $0x3  }
0x96: {  	_ =	strace s2  }
0x97: {  	_ =	strace $0x8FFFFFFF  }
0x98: {  	s20 =	sld [smem:$0x3FDB];
	_ =	sdelay $0x1  }
0x99: {  	s4 =	simm.s32 $_scs_section_size  }
0x9a: {  	s5 =	simm.s32 $_size__tile_overlayer_lowered;
	s6 =	simm.s32 $_tile_overlayer_lowered  }
0x9b: {  	s7 =	simm.s32 $0x1BFF;
	s21 =	sshll.u32 s6, $0x1;
	s4 =	sadd.s32 s4, s20  }
0x9c: {  	s22 =	simm.s32 $0x0;
	s5 =	sshll.u32 s5, $0x1;
	s6 =	sadd.s32 s21, s4  }
0x9d: {  	[timem:s22], [sflag:s7] =	dma.local [hbm:s6], s5  }
0x9e: {  	_ =	swait.ge [sflag:s7], s5  }
0x9f: {  	s5 =	ssub.s32 $0x0, s5;
	[sflag:s7] =	ssyncset.done $0x0  }
0xa0: {  	[sflag:s7] =	ssyncadd.s32 s5;
	_ =	sdelay $0x1  }
0xa1: {  	s23 =	simm.s32 $0x1B8B  }
0xa2: {  	_ =	swait.ge [sflag:s23], $0x1  }
0xa3: {  	[sflag:s23] =	ssyncset.done $0x0  }
0xa4: {  	[sflag:s23] =	ssyncadd.s32 $0xFFFFFFFF  }
0xa5: {  	s5 =	sld [smem:$0x0]  }
0xa6: {  	s6 =	sand.u32 $0xFFFFFFFE, s1  }
0xa7: {  	p0 =	sne.s32 s1, s6  }
0xa8: {  	s6 =	sshll.u32 @p0 s6, $0xE  }
0xa9: {  	s6 =	sadd.s32 @p0 $0x11B8D, s6;
	s7 =	sshll.u32 @p0 s5, $0x11  }
0xaa: {  	s6 =	sor.u32 @p0 s7, s6  }
0xab: {  	[sflag:s6] =	ssyncadd.remote.s32 @p0 $0x1;
	_ =	sdelay $0x1  }
0xac: {  	s6 =	simm.s32 @p0 $0x1B8D  }
0xad: {  	_ =	swait.eq @p0 [sflag:s6], $0x1  }
0xae: {  	[sflag:s6] =	ssyncadd.s32 @p0 $0xFFFFFFFF  }
0xaf: {  	s7 =	sshll.u32 @!p0 s1, $0xE  }
0xb0: {  	s7 =	sor.u32 @!p0 $0x4000, s7;
	s6 =	simm.s32 @!p0 $0x1B8D  }
0xb1: {  	s5 =	sshll.u32 @!p0 s5, $0x11;
	s7 =	sadd.s32 @!p0 $0x11B8D, s7;
	_ =	swait.eq @!p0 [sflag:s6], $0x1  }
0xb2: {  	s5 =	sor.u32 @!p0 s5, s7;
	[sflag:s6] =	ssyncadd.s32 @!p0 $0xFFFFFFFF  }
0xb3: {  	s25 =	simm.s32 $0x1B8E;
	s24 =	sld [smem:$0x3FFE];
	[sflag:s5] =	ssyncadd.remote.s32 @!p0 $0x1  }
0xb4: {  	s26 =	simm.s32 $execute0_lowered;
	[smem:$0x3FD2] =	sst s25  }
0xb5: {  	s6 =	sshll.u32 s26, $0x1;
	_ =	strace $0x80000049;
	[dreg:$0x1] =	wrdreg $0xFFFFFFFF  }
0xb6: {  	s28 =	simm.s32 $_size_execute0_lowered;
	s4 =	sadd.s32 s4, s6;
	[dreg:$0x0] =	wrdreg $0x0  }
0xb7: {  	s6 =	sshll.u32 s28, $0x1;
	[dreg:$0x2] =	wrdreg s4  }
0xb8: {  	[dreg:$0x3] =	wrdreg s6  }
0xb9: {  	[dreg:$0x4] =	wrdreg $0xC0  }
0xba: {  	_ =	task [dreg:s22], $0x5FFFF  }
0xbb: {  	[dreg:$0x1] =	wrdreg $0xFFFFFFFF  }
0xbc: {  	[dreg:$0x0] =	wrdreg $0x60  }
0xbd: {  	[dreg:$0x2] =	wrdreg s24  }
0xbe: {  	[dreg:$0x3] =	wrdreg s18  }
0xbf: {  	[dreg:$0x4] =	wrdreg $0xA  }
0xc0: {  	_ =	task.clear_ibuf [dreg:s22], $0x5FFFF;
	_ =	strace $0x90000049  }
0xc1: {  	s29 =	simm.s32 $0xA;
	_ =	strace $0x8000004B  }
0xc2: {  	_ =	swait.ge [sflag:s29], $0x1  }
0xc3: {  	[sflag:s29] =	ssyncadd.s32 $0xFFFFFFFF  }
0xc4: {  	_ =	strace $0x9000004B  }
0xc5: {  	_ =	sfence  }
0xc6: {  	s30 =	sld [smem:$0x0];
	_ =	sdelay $0x2  }
0xc7: {  	s31 =	sshll.u32 s1, $0xD;
	s1 =	sshrl.u32 s1, $0x2  }
0xc8: {  	s4 =	sand.u32 $0x4000, s31;
	s1 =	sadd.s32 s1, s30  }
0xc9: {  	s0 =	sor.u32 s4, s0;
	s1 =	sshll.u32 s1, $0x11  }
0xca: {  	s0 =	sor.u32 s1, s0  }
0xcb: {  	s0 =	sadd.s32 $0x8F2B, s0  }
0xcc: {  	[sflag:s0] =	ssyncadd.remote.s32 $0x1  }
0xcd: {  	_ =	sfence.sel $0xFFFF  }
0xce: {  	[dreg:$0x0] =	wrdreg $0xFFFFFFFF;
	(pc) =	sbr.abs _section_cstart, $3  }
0xcf: {  	[dreg:$0x1] =	wrdreg $0xFFFFFFFF  }
0xd0: {  	_ =	task.clear_ibuf [dreg:s22], $0x2FFFF;
	_ =	strace $0x9FFFFFFF  }
0xd1: {  	(tm) =	ssettm $0x7FFFFFFF  }
tec
execute0_lowered:
.L_overlay_start_1:
0x0: {  	(tag) =	ssettag $0x1  }
0x1: {  	s5 =	rddreg [dreg:$0x0]  }
0x2: {  	s2 =	rddreg [dreg:$0x1]  }
0x3: {  	s0 =	rddreg [dreg:$0x2];
	s4 =	srdreg.scid  }
0x4: {  	s3 =	simm.s32 $0x0;
	s1 =	stileid.u32;
	s10 =	simm.s32 $0x80  }
0x5: {  	s11 =	simm.s32 $0x880;
	s12 =	simm.s32 $0x1080;
	s13 =	simm.s32 $0x1880  }
0x6: {  	s14 =	simm.s32 $0x2080;
	s15 =	simm.s32 $0x2880;
	s16 =	simm.s32 $0x3080  }
0x7: {  	s17 =	simm.s32 $0x3880;
	s18 =	simm.s32 $0x40;
	s19 =	simm.s32 $0x4080  }
0x8: {  	s20 =	simm.s32 $0x1;
	s21 =	simm.s32 $0x2;
	s6 =	sand.u32 $0x1, s4  }
0x9: {  	[smem:$0x7FF] =	sst s3;
	s7 =	sshll.u32 s1, $0x7;
	s8 =	sshll.u32 s6, $0x6  }
0xa: {  	s4 =	sadd.s32 $0x2E00, s5;
	_ =	strace $0x8000004A;
	s7 =	sor.u32 s8, s7  }
0xb: {  	s6 =	ssub.s32 $0x2, s6;
	s8 =	sshll.u32 s7, $0x5;
	s7 =	sshrl.u32 s7, $0x3  }
0xc: {  	v2 =	vlaneseq.u32;
	s31 =	sshrl.u32 s6, $0x1;
	s8 =	sadd.s32 s8, s5;
	s7 =	sadd.s32 s7, s5  }
0xd: {  	vm0 =	vmmov $0xffff;
	v1 =	vshrl.u32 v2, $0x3;
	s9 =	ssub.s32 s6, s31;
	s5 =	sadd.s32 $0x3600, s7;
	s6 =	sadd.s32 $0x3C00, s8  }
0xe: {  	v0 =	vand.u32 $0x7, v2;
	v2 =	vor.u32 $0x8, v2;
	v1 =	vmul.u32 $0x8, v1;
	s7 =	sadd.s32 $0x3800, s7;
	s8 =	smax.u32 s9, $0x1;
	s9 =	simm.s32 $0x3  }
.LBB2_1:
0xf: {  	[tilespmem:s3], [sflag:$0x3] =	stream.linear.gather [hbm4b:s5+s3], $0x40, $0x38;
	[tilespmem:$0x4100] =	vst v63  }
0x10: {  	_ =	swait.ge [sflag:s9], $0x40  }
0x11: {  	[sflag:s9] =	ssyncset.done $0x0  }
0x12: {  	[sflag:s9] =	ssyncadd.s32 $0xFFFFFFC0  }
0x13: {  	v3 =	vld [tilespmem:$0x0];
	_ =	sdelay $0x4  }
0x14: {  	v4 =	vshll.u32 v3, $0x1  }
0x15: {  	v3 =	vand.u32 $0x7, v3;
	v4 =	vand.u32 $0xFFFFFFF0, v4  }
0x16: {  	v3 =	vor.u32 v3, v4  }
0x17: {  	v4 =	vperm.xlane v3, v0;
	_ =	sdelay $0x1  }
0x18: {  	v3 =	vperm.xlane v3, v2;
	v4 =	vadd.s32 v1, v4;
	_ =	sdelay $0x1  }
0x19: {  	v3 =	vadd.s32 v1, v3;
	_ =	sdelay $0x2  }
0x1a: {  	[tilespmem:s10], [sflag:$0x1] =	stream.indirect_vreg.gather [hbm4b:s2+s3], $0x80, v4, vm0, $0xb8;
	[tilespmem:$0x4100] =	vst v63  }
0x1b: {  	_ = 	snop  }
0x1c: {  	[tilespmem:s11], [sflag:$0x1] =	stream.indirect_vreg.gather [hbm4b:s2+s3], $0x80, v3, vm0, $0xb8;
	[tilespmem:$0x4100] =	vst v63  }
0x1d: {  	v3 =	vld [tilespmem:$0x10];
	_ =	sdelay $0x4  }
0x1e: {  	v61 =	vshll.u32 v3, $0x1  }
0x1f: {  	v3 =	vand.u32 $0x7, v3;
	v4 =	vand.u32 $0xFFFFFFF0, v61  }
0x20: {  	v3 =	vor.u32 v3, v4  }
0x21: {  	v4 =	vperm.xlane v3, v0;
	_ =	sdelay $0x1  }
0x22: {  	v3 =	vperm.xlane v3, v2;
	v4 =	vadd.s32 v1, v4;
	_ =	sdelay $0x1  }
0x23: {  	v3 =	vadd.s32 v1, v3;
	_ =	sdelay $0x2  }
0x24: {  	[tilespmem:s12], [sflag:$0x1] =	stream.indirect_vreg.gather [hbm4b:s2+s3], $0x80, v4, vm0, $0xb8;
	[tilespmem:$0x4100] =	vst v63  }
0x25: {  	_ = 	snop  }
0x26: {  	[tilespmem:s13], [sflag:$0x1] =	stream.indirect_vreg.gather [hbm4b:s2+s3], $0x80, v3, vm0, $0xb8;
	[tilespmem:$0x4100] =	vst v63  }
0x27: {  	v3 =	vld [tilespmem:$0x20];
	_ =	sdelay $0x4  }
0x28: {  	v62 =	vshll.u32 v3, $0x1  }
0x29: {  	v3 =	vand.u32 $0x7, v3;
	v4 =	vand.u32 $0xFFFFFFF0, v62  }
0x2a: {  	v3 =	vor.u32 v3, v4  }
0x2b: {  	v4 =	vperm.xlane v3, v0;
	_ =	sdelay $0x1  }
0x2c: {  	v3 =	vperm.xlane v3, v2;
	v4 =	vadd.s32 v1, v4;
	_ =	sdelay $0x1  }
0x2d: {  	v3 =	vadd.s32 v1, v3;
	_ =	sdelay $0x2  }
0x2e: {  	[tilespmem:s14], [sflag:$0x1] =	stream.indirect_vreg.gather [hbm4b:s2+s3], $0x80, v4, vm0, $0xb8;
	[tilespmem:$0x4100] =	vst v63  }
0x2f: {  	_ = 	snop  }
0x30: {  	[tilespmem:s15], [sflag:$0x1] =	stream.indirect_vreg.gather [hbm4b:s2+s3], $0x80, v3, vm0, $0xb8;
	[tilespmem:$0x4100] =	vst v63  }
0x31: {  	v3 =	vld [tilespmem:$0x30];
	_ =	sdelay $0x4  }
0x32: {  	v63 =	vshll.u32 v3, $0x1  }
0x33: {  	v3 =	vand.u32 $0x7, v3;
	v4 =	vand.u32 $0xFFFFFFF0, v63  }
0x34: {  	v3 =	vor.u32 v3, v4  }
0x35: {  	v4 =	vperm.xlane v3, v0;
	_ =	sdelay $0x1  }
0x36: {  	v3 =	vperm.xlane v3, v2;
	v4 =	vadd.s32 v1, v4;
	_ =	sdelay $0x1  }
0x37: {  	v3 =	vadd.s32 v1, v3;
	_ =	sdelay $0x2  }
0x38: {  	[tilespmem:s16], [sflag:$0x1] =	stream.indirect_vreg.gather [hbm4b:s2+s3], $0x80, v4, vm0, $0xb8;
	[tilespmem:$0x4100] =	vst v63  }
0x39: {  	_ = 	snop  }
0x3a: {  	[tilespmem:s17], [sflag:$0x1] =	stream.indirect_vreg.gather [hbm4b:s2+s3], $0x80, v3, vm0, $0xb8;
	[tilespmem:$0x4100] =	vst v63  }
0x3b: {  	_ = 	snop  }
0x3c: {  	[tilespmem:s19], [sflag:$0x2] =	stream.indirect.gather [hbm4b:s4+s18], $0x1, s3, s18, $0xb8;
	[tilespmem:$0x4100] =	vst v63  }
0x3d: {  	_ =	swait.ge [sflag:s20], $0x4000  }
0x3e: {  	[sflag:s20] =	ssyncset.done $0x0  }
0x3f: {  	[sflag:s20] =	ssyncadd.s32 $0xFFFFC000  }
0x40: {  	_ =	swait.ge [sflag:s21], $0x40  }
0x41: {  	[sflag:s21] =	ssyncset.done $0x0  }
0x42: {  	[sflag:s21] =	ssyncadd.s32 $0xFFFFFFC0  }
0x43: {  	[hbm4b:s6+s3] =	stream.linear.scatter [tilespmem:s10], [sflag:$0x3], $0x4000, $0x38;
	[tilespmem:$0x4100] =	vst v63  }
0x44: {  	_ =	swait.ge [sflag:s9], $0x4000  }
0x45: {  	p0 =	sne.s32 s8, $0x1;
	[sflag:s9] =	ssyncset.done $0x0  }
.Ltmp0:
0x46: {  	[sflag:s9] =	ssyncadd.s32 $0xFFFFC000;
	(pc) =	sbr.rel @p0 .LBB2_1-.Ltmp0, $4  }
0x47: {  	[hbm4b:s7+s3] =	stream.linear.scatter [tilespmem:s19], [sflag:$0x3], $0x40, $0x38;
	[tilespmem:$0x4100] =	vst v63  }
0x48: {  	_ =	swait.ge [sflag:s9], $0x40  }
0x49: {  	[sflag:s9] =	ssyncset.done $0x0  }
0x4a: {  	s8 =	sadd.s32 $0xFFFFFFFF, s8;
	[sflag:s9] =	ssyncadd.s32 $0xFFFFFFC0  }
0x4b: {  	_ =	sfence.sel $0x180000  }
0x4c: {  	[bflag:$0x0] =	sbarrier.arrive $0xFFFF  }
0x4d: {  	p0 =	sne.s32 s1, $0x0;
	_ =	strace $0x9000004A  }
0x4e: {  	s0 =	sadd.s32 @!p0 $0x100000, s0;
	[bflag:$0x2] =	sbarrier.arrive $0xFFFF  }
0x4f: {  	[sflag:s0] =	ssyncadd.tile.s32 @!p0 $0x1;
	_ =	shalt  }
.Lfunc_end2:
_tile_overlayer_lowered:
.L_overlay_start_2:
0x50: {  	(tag) =	ssettag $0x2  }
0x51: {  	s0 =	rddreg [dreg:$0x0];
	s2 =	stileid.u32  }
0x52: {  	s1 =	rddreg [dreg:$0x1];
	p0 =	sne.s32 s2, $0x0  }
0x53: {  	s3 =	rddreg [dreg:$0x2];
	[bflag:$0x3] =	sbarrier.arrive $0xFFFF;
	s2 =	simm.s32 @!p0 $0x1C03  }
0x54: {  	[timem:s3], [sflag:s2] =	dma.local @!p0 [hbm:s0], s1  }
0x55: {  	s0 =	simm.s32 @!p0 $0x3  }
0x56: {  	_ =	swait.ge @!p0 [sflag:s0], s1  }
0x57: {  	s1 =	ssub.s32 @!p0 $0x0, s1;
	[sflag:s0] =	ssyncset.done @!p0 $0x0  }
0x58: {  	[sflag:s0] =	ssyncadd.s32 @!p0 s1  }
0x59: {  	[bflag:$0x3] =	sbarrier.arrive $0xFFFF  }
0x5a: {  	_ =	shalt  }

// kernel: kernel.9.cloned.1.call-start
scs
__scs_entry_jumppad:
0x0: {  	(pc) =	sbr.rel $0x88, $3  }
0x1: {  	(tag) =	ssettag $0x0;
	lr =	simm.s32 $0x1  }
0x2: {  	[smem:$0x3F9A] =	sst lr;
	_ =	strace $0xD0000000  }
0x3: {  	_ = 	snop  }
0x4: {  	_ = 	snop  }
0x5: {  	_ = 	snop  }
0x6: {  	_ = 	snop  }
0x7: {  	_ = 	snop  }
__scs_overlays_trampoline_lowered:
0x8: {  	[smem:$0x3FA9] =	sst s0  }
0x9: {  	[smem:$0x3FAA] =	sst s1  }
0xa: {  	[smem:$0x3FAB] =	sst s2  }
0xb: {  	[smem:$0x3FAC] =	sst s3  }
0xc: {  	[smem:$0x3FAD] =	sst s4  }
0xd: {  	[smem:$0x3FAE] =	sst s5  }
0xe: {  	[smem:$0x3FAF] =	sst s6  }
0xf: {  	[smem:$0x3FB0] =	sst s7  }
0x10: {  	[smem:$0x3FB1] =	sst s8  }
0x11: {  	[smem:$0x3FB2] =	sst s9;
	s0 =	simm.s32 @!p0 $0x0  }
0x12: {  	s1 =	sld [smem:$0x3F98];
	s0 =	simm.s32 @p0 $0x1  }
0x13: {  	[smem:$0x3FB3] =	sst s0;
	s0 =	simm.s32 @!p1 $0x0  }
0x14: {  	s2 =	sld [smem:$0x3F97];
	s0 =	simm.s32 @p1 $0x1  }
0x15: {  	[smem:$0x3FB4] =	sst s0;
	s0 =	simm.s32 @!p2 $0x0  }
0x16: {  	s3 =	sld [smem:$0x3FDB];
	s0 =	simm.s32 @p2 $0x1  }
0x17: {  	s4 =	simm.s32 $0x1BF5;
	[smem:$0x3FB6] =	sst s0  }
0x18: {  	s0 =	sld [smem:$0x3F99];
	_ =	swait.ge [sflag:s4], $0x0  }
0x19: {  	s7 =	sld [smem:$0x3F9A]  }
0x1a: {  	s8 =	sadd.s32 $0xFFFFE003, lr  }
0x1b: {  	s9 =	sadd.s32 $0xFFFFFEF7, lr;
	s5 =	simm.s32 $0xFFFFFFFF;
	p2 =	slt.u32 s8, $0xFFFFF086  }
0x1c: {  	p1 =	slt.u32 s9, $0xF7A;
	s5 =	simm.s32 @!p2 $0x0  }
0x1d: {  	s5 =	simm.s32 @p1 $0x1;
	p0 =	seq.s32 s7, s2  }
0x1e: {  	s7 =	smul.u32 @!p0 $0xF7A, s2;
	p2 =	seq.s32 @!p0 s5, $0x0  }
0x1f: {  	s9 =	smul.u32 $0xF7A, s1;
	s8 =	simm.s32 @!p0 $0x1BF5;
	p2 =	por !p2, p0  }
0x20: {  	[sflag:s8] =	ssyncset.s32 @!p0 $0xFFFFF086;
	s6 =	sadd.s32 @!p0 s3, s7;
	s7 =	simm.s32 @!p0 $0x108  }
0x21: {  	s3 =	sadd.s32 s3, s9;
	s6 =	sadd.s32 @!p0 $0x88, s6;
	s7 =	simm.s32 @p2 $0x1082  }
0x22: {  	[simem:s7], [sflag:s8] =	dma.local @!p0 [hbm:s6], $0xF7A  }
0x23: {  	s9 =	sor.u32 $0xD0000000, s2;
	s6 =	simm.s32 $0x108;
	_ =	swait.ge @!p0 [sflag:s8], $0x0  }
0x24: {  	s3 =	sadd.s32 $0x88, s3;
	s6 =	simm.s32 @!p1 $0x1082;
	[sflag:s4] =	ssyncset.s32 $0xFFFFF086  }
0x25: {  	[simem:s6], [sflag:s4] =	dma.local [hbm:s3], $0xF7A  }
0x26: {  	[smem:$0x3F9A] =	sst s1;
	(tag) =	ssettag s2;
	_ =	strace s9  }
0x27: {  	s1 =	sld [smem:$0x3FAA]  }
0x28: {  	s2 =	sld [smem:$0x3FAB]  }
0x29: {  	s4 =	sld [smem:$0x3FAD]  }
0x2a: {  	p0 =	seq.s32 s5, $0x0;
	s5 =	sld [smem:$0x3FAE]  }
0x2b: {  	s6 =	sld [smem:$0x3FAF]  }
0x2c: {  	s7 =	sld [smem:$0x3FB0]  }
0x2d: {  	s3 =	simm.s32 $0x108;
	s8 =	sld [smem:$0x3FB1]  }
0x2e: {  	s3 =	simm.s32 @!p0 $0x1082;
	s9 =	sld [smem:$0x3FB2]  }
0x2f: {  	lr =	sadd.s32 s0, s3;
	s0 =	sld [smem:$0x3FA9]  }
0x30: {  	s3 =	sld [smem:$0x3FAC]  }
0x31: {  	[smem:$0x3FB5] =	sst s10  }
0x32: {  	s10 =	sld [smem:$0x3FB3];
	_ =	sdelay $0x3  }
0x33: {  	p0 =	seq.s32 s10, $0x1;
	s10 =	sld [smem:$0x3FB5];
	_ =	sdelay $0x3  }
0x34: {  	[smem:$0x3FB5] =	sst s10  }
0x35: {  	s10 =	sld [smem:$0x3FB4];
	_ =	sdelay $0x3  }
0x36: {  	p1 =	seq.s32 s10, $0x1;
	s10 =	sld [smem:$0x3FB5];
	_ =	sdelay $0x3  }
0x37: {  	[smem:$0x3FB5] =	sst s10  }
0x38: {  	s10 =	sld [smem:$0x3FB6]  }
0x39: {  	_ = 	snop;
	(pc) =	sbr.ind lr, $3  }
0x3a: {  	_ = 	snop  }
0x3b: {  	_ = 	snop  }
0x3c: {  	p2 =	seq.s32 s10, $0x1;
	s10 =	sld [smem:$0x3FB5]  }
0x3d: {  	_ =	shalt  }
0x3e: {  	_ =	shalt  }
0x3f: {  	_ =	shalt  }
0x40: {  	_ =	shalt  }
0x41: {  	_ =	shalt  }
0x42: {  	_ =	shalt  }
0x43: {  	_ =	shalt  }
0x44: {  	_ =	shalt  }
0x45: {  	_ =	shalt  }
0x46: {  	_ =	shalt  }
0x47: {  	_ =	shalt  }
0x48: {  	_ =	shalt  }
0x49: {  	_ =	shalt  }
0x4a: {  	_ =	shalt  }
0x4b: {  	_ =	shalt  }
0x4c: {  	_ =	shalt  }
0x4d: {  	_ =	shalt  }
0x4e: {  	_ =	shalt  }
0x4f: {  	_ =	shalt  }
0x50: {  	_ =	shalt  }
0x51: {  	_ =	shalt  }
0x52: {  	_ =	shalt  }
0x53: {  	_ =	shalt  }
0x54: {  	_ =	shalt  }
0x55: {  	_ =	shalt  }
0x56: {  	_ =	shalt  }
0x57: {  	_ =	shalt  }
0x58: {  	_ =	shalt  }
0x59: {  	_ =	shalt  }
0x5a: {  	_ =	shalt  }
0x5b: {  	_ =	shalt  }
0x5c: {  	_ =	shalt  }
0x5d: {  	_ =	shalt  }
0x5e: {  	_ =	shalt  }
0x5f: {  	_ =	shalt  }
0x60: {  	_ =	shalt  }
0x61: {  	_ =	shalt  }
0x62: {  	_ =	shalt  }
0x63: {  	_ =	shalt  }
0x64: {  	_ =	shalt  }
0x65: {  	_ =	shalt  }
0x66: {  	_ =	shalt  }
0x67: {  	_ =	shalt  }
0x68: {  	_ =	shalt  }
0x69: {  	_ =	shalt  }
0x6a: {  	_ =	shalt  }
0x6b: {  	_ =	shalt  }
0x6c: {  	_ =	shalt  }
0x6d: {  	_ =	shalt  }
0x6e: {  	_ =	shalt  }
0x6f: {  	_ =	shalt  }
0x70: {  	_ =	shalt  }
0x71: {  	_ =	shalt  }
0x72: {  	_ =	shalt  }
0x73: {  	_ =	shalt  }
0x74: {  	_ =	shalt  }
0x75: {  	_ =	shalt  }
0x76: {  	_ =	shalt  }
0x77: {  	_ =	shalt  }
0x78: {  	_ =	shalt  }
0x79: {  	_ =	shalt  }
0x7a: {  	_ =	shalt  }
0x7b: {  	_ =	shalt  }
0x7c: {  	_ =	shalt  }
0x7d: {  	_ =	shalt  }
0x7e: {  	_ =	shalt  }
0x7f: {  	_ =	shalt  }
0x80: {  	_ =	shalt  }
0x81: {  	_ =	shalt  }
0x82: {  	_ =	shalt  }
0x83: {  	_ =	shalt  }
0x84: {  	_ =	shalt  }
0x85: {  	_ =	shalt  }
0x86: {  	_ =	shalt  }
0x87: {  	_ =	shalt  }
.Lfunc_end0:
.L_simem_size_0:
called_computation_lowered:
.L_overlay_start_0:
0x88: {  	s2 =	sld [smem:$0x3FD9]  }
0x89: {  	s3 =	sld [smem:$0x3FFE];
	_ =	sdelay $0x1  }
0x8a: {  	s1 =	srdreg.scid  }
0x8b: {  	s0 =	sand.u32 $0x1, s1  }
0x8c: {  	s14 =	sshll.u32 s0, $0xA;
	s2 =	sadd.s32 s3, s2  }
0x8d: {  	s2 =	sadd.s32 s2, s14  }
0x8e: {  	[smem:$0x3FC1] =	sst s2  }
0x8f: {  	_ = 	snop  }
0x90: {  	s2 =	sld [smem:$0x3FD0];
	_ =	sdelay $0x2  }
0x91: {  	s4 =	simm.s32 $0xB;
	s5 =	simm.s32 $0x10;
	s15 =	sld [smem:$0x3FC6]  }
0x92: {  	[smem:s5], [sflag:s4] =	dma.local [hbm:s2], $0x1  }
0x93: {  	_ =	swait.eq [sflag:s4], $0x1  }
0x94: {  	[sflag:s4] =	ssyncset.done $0x0  }
0x95: {  	[sflag:s4] =	ssyncadd.s32 $0xFFFFFFFF  }
0x96: {  	s16 =	sld [smem:$0x10];
	(tm) =	ssettm $0x1  }
0x97: {  	s17 =	sld [smem:$0x3FFB];
	_ =	sdelay $0x3  }
0x98: {  	_ =	strace s17  }
0x99: {  	s4 =	sld [smem:$0x3FFC];
	_ =	sdelay $0x3  }
0x9a: {  	_ =	strace s4  }
0x9b: {  	s4 =	sld [smem:$0x3FFD];
	_ =	sdelay $0x3  }
0x9c: {  	_ =	strace s4  }
0x9d: {  	_ =	strace $0x8FFFFFFF  }
0x9e: {  	s18 =	sld [smem:$0x3FDB];
	_ =	sdelay $0x1  }
0x9f: {  	s19 =	simm.s32 $_scs_section_size  }
0xa0: {  	s6 =	simm.s32 $_size__tile_overlayer_lowered;
	s7 =	simm.s32 $_tile_overlayer_lowered  }
0xa1: {  	s22 =	simm.s32 $0x1BFF;
	s21 =	sshll.u32 s7, $0x1;
	s4 =	sadd.s32 s19, s18  }
0xa2: {  	s8 =	simm.s32 $0x0;
	s20 =	sshll.u32 s6, $0x1;
	s6 =	sadd.s32 s21, s4  }
0xa3: {  	[timem:s8], [sflag:s22] =	dma.local [hbm:s6], s20  }
0xa4: {  	_ =	swait.ge [sflag:s22], s20  }
0xa5: {  	s5 =	ssub.s32 $0x0, s20;
	[sflag:s22] =	ssyncset.done $0x0  }
0xa6: {  	[sflag:s22] =	ssyncadd.s32 s5;
	_ =	sdelay $0x1  }
0xa7: {  	s23 =	simm.s32 $0x1B8B  }
0xa8: {  	_ =	swait.ge [sflag:s23], $0x1  }
0xa9: {  	[sflag:s23] =	ssyncset.done $0x0  }
0xaa: {  	s25 =	simm.s32 $0x1B8E;
	s24 =	sld [smem:$0x3FFE];
	[sflag:s23] =	ssyncadd.s32 $0xFFFFFFFF  }
0xab: {  	s26 =	simm.s32 $execute0_lowered;
	[smem:$0x3FD2] =	sst s25  }
0xac: {  	s6 =	sshll.u32 s26, $0x1;
	_ =	strace $0x80000046;
	[dreg:$0x1] =	wrdreg $0xFFFFFFFF  }
0xad: {  	s28 =	simm.s32 $_size_execute0_lowered;
	s4 =	sadd.s32 s4, s6;
	[dreg:$0x0] =	wrdreg $0x0  }
0xae: {  	s6 =	sshll.u32 s28, $0x1;
	[dreg:$0x2] =	wrdreg s4  }
0xaf: {  	[dreg:$0x3] =	wrdreg s6  }
0xb0: {  	[dreg:$0x4] =	wrdreg $0xC0  }
0xb1: {  	_ =	task [dreg:s8], $0x5FFFF  }
0xb2: {  	[dreg:$0x1] =	wrdreg $0xFFFFFFFF  }
0xb3: {  	[dreg:$0x0] =	wrdreg $0x60  }
0xb4: {  	[dreg:$0x2] =	wrdreg s24  }
0xb5: {  	[dreg:$0x3] =	wrdreg s15  }
0xb6: {  	[dreg:$0x4] =	wrdreg s16  }
0xb7: {  	[dreg:$0x5] =	wrdreg $0x9  }
0xb8: {  	_ =	task.clear_ibuf [dreg:s8], $0x6FFFF;
	_ =	strace $0x90000046  }
0xb9: {  	s29 =	simm.s32 $0x9;
	_ =	strace $0x80000048  }
0xba: {  	_ =	swait.ge [sflag:s29], $0x1  }
0xbb: {  	[sflag:s29] =	ssyncadd.s32 $0xFFFFFFFF  }
0xbc: {  	_ =	strace $0x90000048  }
0xbd: {  	_ =	sfence  }
0xbe: {  	s30 =	sld [smem:$0x0];
	_ =	sdelay $0x2  }
0xbf: {  	s31 =	sshll.u32 s1, $0xD;
	s1 =	sshrl.u32 s1, $0x2  }
0xc0: {  	s3 =	sand.u32 $0x4000, s31;
	s1 =	sadd.s32 s1, s30  }
0xc1: {  	s0 =	sor.u32 s3, s0;
	s1 =	sshll.u32 s1, $0x11  }
0xc2: {  	s0 =	sor.u32 s1, s0  }
0xc3: {  	s0 =	sadd.s32 $0x8F2B, s0  }
0xc4: {  	[sflag:s0] =	ssyncadd.remote.s32 $0x1  }
0xc5: {  	_ =	sfence.sel $0xFFFF  }
0xc6: {  	[dreg:$0x0] =	wrdreg $0xFFFFFFFF;
	(pc) =	sbr.abs _section_cstart, $3  }
0xc7: {  	[dreg:$0x1] =	wrdreg $0xFFFFFFFF  }
0xc8: {  	_ =	task.clear_ibuf [dreg:s8], $0x2FFFF;
	_ =	strace $0x9FFFFFFF  }
0xc9: {  	(tm) =	ssettm $0x7FFFFFFF  }
tec
execute0_lowered:
.L_overlay_start_1:
0x0: {  	(tag) =	ssettag $0x1  }
0x1: {  	s5 =	rddreg [dreg:$0x0]  }
0x2: {  	s1 =	rddreg [dreg:$0x1]  }
0x3: {  	s6 =	rddreg [dreg:$0x2]  }
0x4: {  	s0 =	rddreg [dreg:$0x3]  }
0x5: {  	s4 =	srdreg.scid;
	s3 =	simm.s32 $0x0;
	s2 =	stileid.u32  }
0x6: {  	s11 =	simm.s32 $0x880;
	s12 =	simm.s32 $0x1080;
	s13 =	simm.s32 $0x1880  }
0x7: {  	s14 =	simm.s32 $0x2080;
	s15 =	simm.s32 $0x2880;
	s16 =	simm.s32 $0x3080  }
0x8: {  	s17 =	simm.s32 $0x3880;
	s18 =	simm.s32 $0x40;
	s19 =	simm.s32 $0x4080  }
0x9: {  	s20 =	simm.s32 $0x1;
	s21 =	simm.s32 $0x2;
	s7 =	sand.u32 $0x1, s4  }
0xa: {  	[smem:$0x7FF] =	sst s3;
	s30 =	sshll.u32 s2, $0x7;
	s8 =	sshll.u32 s7, $0x6  }
0xb: {  	s4 =	sadd.s32 $0x2E00, s5;
	s7 =	ssub.s32 $0x2, s7;
	s8 =	sor.u32 s8, s30  }
0xc: {  	_ =	strace $0x80000047;
	s31 =	sshrl.u32 s7, $0x1;
	s9 =	sshrl.u32 s8, $0x3  }
0xd: {  	v2 =	vlaneseq.u32;
	s8 =	sshll.u32 s8, $0x5;
	s10 =	ssub.s32 s7, s31;
	s9 =	sadd.s32 s9, s5  }
0xe: {  	vm0 =	vmmov $0xffff;
	v1 =	vshrl.u32 v2, $0x3;
	s6 =	sadd.s32 s6, s8;
	s8 =	smax.u32 s10, $0x1;
	s10 =	simm.s32 $0x80  }
0xf: {  	v0 =	vand.u32 $0x7, v2;
	v2 =	vor.u32 $0x8, v2;
	v1 =	vmul.u32 $0x8, v1;
	s5 =	sadd.s32 $0x3200, s9;
	s7 =	sadd.s32 $0x3400, s9;
	s9 =	simm.s32 $0x3  }
.LBB2_1:
0x10: {  	[tilespmem:s3], [sflag:$0x3] =	stream.linear.gather [hbm4b:s5+s3], $0x40, $0x38;
	[tilespmem:$0x4100] =	vst v63  }
0x11: {  	_ =	swait.ge [sflag:s9], $0x40  }
0x12: {  	[sflag:s9] =	ssyncset.done $0x0  }
0x13: {  	[sflag:s9] =	ssyncadd.s32 $0xFFFFFFC0  }
0x14: {  	v3 =	vld [tilespmem:$0x0];
	_ =	sdelay $0x4  }
0x15: {  	v4 =	vshll.u32 v3, $0x1  }
0x16: {  	v3 =	vand.u32 $0x7, v3;
	v4 =	vand.u32 $0xFFFFFFF0, v4  }
0x17: {  	v3 =	vor.u32 v3, v4  }
0x18: {  	v4 =	vperm.xlane v3, v0;
	_ =	sdelay $0x1  }
0x19: {  	v3 =	vperm.xlane v3, v2;
	v4 =	vadd.s32 v1, v4;
	_ =	sdelay $0x1  }
0x1a: {  	v3 =	vadd.s32 v1, v3;
	_ =	sdelay $0x2  }
0x1b: {  	[tilespmem:s10], [sflag:$0x1] =	stream.indirect_vreg.gather [hbm4b:s1+s3], $0x80, v4, vm0, $0xb8;
	[tilespmem:$0x4100] =	vst v63  }
0x1c: {  	_ = 	snop  }
0x1d: {  	[tilespmem:s11], [sflag:$0x1] =	stream.indirect_vreg.gather [hbm4b:s1+s3], $0x80, v3, vm0, $0xb8;
	[tilespmem:$0x4100] =	vst v63  }
0x1e: {  	v3 =	vld [tilespmem:$0x10];
	_ =	sdelay $0x4  }
0x1f: {  	v61 =	vshll.u32 v3, $0x1  }
0x20: {  	v3 =	vand.u32 $0x7, v3;
	v4 =	vand.u32 $0xFFFFFFF0, v61  }
0x21: {  	v3 =	vor.u32 v3, v4  }
0x22: {  	v4 =	vperm.xlane v3, v0;
	_ =	sdelay $0x1  }
0x23: {  	v3 =	vperm.xlane v3, v2;
	v4 =	vadd.s32 v1, v4;
	_ =	sdelay $0x1  }
0x24: {  	v3 =	vadd.s32 v1, v3;
	_ =	sdelay $0x2  }
0x25: {  	[tilespmem:s12], [sflag:$0x1] =	stream.indirect_vreg.gather [hbm4b:s1+s3], $0x80, v4, vm0, $0xb8;
	[tilespmem:$0x4100] =	vst v63  }
0x26: {  	_ = 	snop  }
0x27: {  	[tilespmem:s13], [sflag:$0x1] =	stream.indirect_vreg.gather [hbm4b:s1+s3], $0x80, v3, vm0, $0xb8;
	[tilespmem:$0x4100] =	vst v63  }
0x28: {  	v3 =	vld [tilespmem:$0x20];
	_ =	sdelay $0x4  }
0x29: {  	v62 =	vshll.u32 v3, $0x1  }
0x2a: {  	v3 =	vand.u32 $0x7, v3;
	v4 =	vand.u32 $0xFFFFFFF0, v62  }
0x2b: {  	v3 =	vor.u32 v3, v4  }
0x2c: {  	v4 =	vperm.xlane v3, v0;
	_ =	sdelay $0x1  }
0x2d: {  	v3 =	vperm.xlane v3, v2;
	v4 =	vadd.s32 v1, v4;
	_ =	sdelay $0x1  }
0x2e: {  	v3 =	vadd.s32 v1, v3;
	_ =	sdelay $0x2  }
0x2f: {  	[tilespmem:s14], [sflag:$0x1] =	stream.indirect_vreg.gather [hbm4b:s1+s3], $0x80, v4, vm0, $0xb8;
	[tilespmem:$0x4100] =	vst v63  }
0x30: {  	_ = 	snop  }
0x31: {  	[tilespmem:s15], [sflag:$0x1] =	stream.indirect_vreg.gather [hbm4b:s1+s3], $0x80, v3, vm0, $0xb8;
	[tilespmem:$0x4100] =	vst v63  }
0x32: {  	v3 =	vld [tilespmem:$0x30];
	_ =	sdelay $0x4  }
0x33: {  	v63 =	vshll.u32 v3, $0x1  }
0x34: {  	v3 =	vand.u32 $0x7, v3;
	v4 =	vand.u32 $0xFFFFFFF0, v63  }
0x35: {  	v3 =	vor.u32 v3, v4  }
0x36: {  	v4 =	vperm.xlane v3, v0;
	_ =	sdelay $0x1  }
0x37: {  	v3 =	vperm.xlane v3, v2;
	v4 =	vadd.s32 v1, v4;
	_ =	sdelay $0x1  }
0x38: {  	v3 =	vadd.s32 v1, v3;
	_ =	sdelay $0x2  }
0x39: {  	[tilespmem:s16], [sflag:$0x1] =	stream.indirect_vreg.gather [hbm4b:s1+s3], $0x80, v4, vm0, $0xb8;
	[tilespmem:$0x4100] =	vst v63  }
0x3a: {  	_ = 	snop  }
0x3b: {  	[tilespmem:s17], [sflag:$0x1] =	stream.indirect_vreg.gather [hbm4b:s1+s3], $0x80, v3, vm0, $0xb8;
	[tilespmem:$0x4100] =	vst v63  }
0x3c: {  	_ = 	snop  }
0x3d: {  	[tilespmem:s19], [sflag:$0x2] =	stream.indirect.gather [hbm4b:s4+s18], $0x1, s3, s18, $0xb8;
	[tilespmem:$0x4100] =	vst v63  }
0x3e: {  	_ =	swait.ge [sflag:s20], $0x4000  }
0x3f: {  	[sflag:s20] =	ssyncset.done $0x0  }
0x40: {  	[sflag:s20] =	ssyncadd.s32 $0xFFFFC000  }
0x41: {  	_ =	swait.ge [sflag:s21], $0x40  }
0x42: {  	[sflag:s21] =	ssyncset.done $0x0  }
0x43: {  	[sflag:s21] =	ssyncadd.s32 $0xFFFFFFC0  }
0x44: {  	[hbm4b:s6+s3] =	stream.linear.scatter [tilespmem:s10], [sflag:$0x3], $0x4000, $0x38;
	[tilespmem:$0x4100] =	vst v63  }
0x45: {  	_ =	swait.ge [sflag:s9], $0x4000  }
0x46: {  	p0 =	sne.s32 s8, $0x1;
	[sflag:s9] =	ssyncset.done $0x0  }
.Ltmp0:
0x47: {  	[sflag:s9] =	ssyncadd.s32 $0xFFFFC000;
	(pc) =	sbr.rel @p0 .LBB2_1-.Ltmp0, $4  }
0x48: {  	[hbm4b:s7+s3] =	stream.linear.scatter [tilespmem:s19], [sflag:$0x3], $0x40, $0x38;
	[tilespmem:$0x4100] =	vst v63  }
0x49: {  	_ =	swait.ge [sflag:s9], $0x40  }
0x4a: {  	[sflag:s9] =	ssyncset.done $0x0  }
0x4b: {  	s8 =	sadd.s32 $0xFFFFFFFF, s8;
	[sflag:s9] =	ssyncadd.s32 $0xFFFFFFC0  }
0x4c: {  	_ =	sfence.sel $0x180000  }
0x4d: {  	[bflag:$0x0] =	sbarrier.arrive $0xFFFF  }
0x4e: {  	p0 =	sne.s32 s2, $0x0;
	_ =	strace $0x90000047  }
0x4f: {  	s0 =	sadd.s32 @!p0 $0x100000, s0;
	[bflag:$0x2] =	sbarrier.arrive $0xFFFF  }
0x50: {  	[sflag:s0] =	ssyncadd.tile.s32 @!p0 $0x1;
	_ =	shalt  }
.Lfunc_end2:
_tile_overlayer_lowered:
.L_overlay_start_2:
0x51: {  	(tag) =	ssettag $0x2  }
0x52: {  	s0 =	rddreg [dreg:$0x0];
	s2 =	stileid.u32  }
0x53: {  	s1 =	rddreg [dreg:$0x1];
	p0 =	sne.s32 s2, $0x0  }
0x54: {  	s3 =	rddreg [dreg:$0x2];
	[bflag:$0x3] =	sbarrier.arrive $0xFFFF;
	s2 =	simm.s32 @!p0 $0x1C03  }
0x55: {  	[timem:s3], [sflag:s2] =	dma.local @!p0 [hbm:s0], s1  }
0x56: {  	s0 =	simm.s32 @!p0 $0x3  }
0x57: {  	_ =	swait.ge @!p0 [sflag:s0], s1  }
0x58: {  	s1 =	ssub.s32 @!p0 $0x0, s1;
	[sflag:s0] =	ssyncset.done @!p0 $0x0  }
0x59: {  	[sflag:s0] =	ssyncadd.s32 @!p0 s1  }
0x5a: {  	[bflag:$0x3] =	sbarrier.arrive $0xFFFF  }
0x5b: {  	_ =	shalt  }

</sc_bundles>
